<compile_context>
chip_gen: v7x
topology: tpu7x:2x2x1
jax: 0.10.2.dev20260603
libtpu: 0.0.44.dev20260713+nightly
codegen_flags: <defaults>
</compile_context>

<pallas_src>
import functools

import jax
import jax.numpy as jnp
from jax import lax
from jax.experimental import pallas as pl
from jax.experimental.pallas import tpu as pltpu
from jax.experimental.pallas import tpu_sc as plsc

NC = 2
NS = 16
NW = NC * NS
K = 128
W = 16


SUB = 8
C = SUB * K


def _sc_segment_sum(NP, EPW):
    RPT = NP // NS
    KI = EPW // C
    BPW = EPW // K
    mesh = plsc.VectorSubcoreMesh(
        core_axis_name="c", subcore_axis_name="s",
        num_cores=NC, num_subcores=NS)

    @functools.partial(
        pl.kernel,
        out_type=jax.ShapeDtypeStruct((NC, NP, W), jnp.float32),
        mesh=mesh,
        scratch_types=[
            pltpu.VMEM((SUB, K), jnp.int32),
            pltpu.VMEM((SUB, K), jnp.int32),
            pltpu.VMEM((SUB, K, W), jnp.float32),
            pltpu.VMEM((RPT, W), jnp.float32),
            pltpu.VMEM_SHARED((NP, W), jnp.float32),
            pltpu.SemaphoreType.DMA,
            pltpu.SemaphoreType.DMA,
        ],
        compiler_params=pltpu.CompilerParams(use_tc_tiling_on_sc=False),
    )
    def k(table_hbm, src_hbm, dst_hbm, out_hbm,
          src_v, dst_v, rows_v, stage_v, acc_sh, sem_g, sem_s):
        c = lax.axis_index("c")
        s = lax.axis_index("s")
        wid = c * NS + s
        row0 = s * RPT
        zrow = jnp.zeros((16,), jnp.float32)

        def zero_body(i, carry):
            stage_v[i, :] = zrow
            return carry

        lax.fori_loop(0, RPT, zero_body, 0)
        pltpu.sync_copy(stage_v, acc_sh.at[pl.ds(row0, RPT)])
        plsc.subcore_barrier()

        def edge_body(o, carry):
            r0 = wid * BPW + o * SUB
            pltpu.sync_copy(src_hbm.at[pl.ds(r0, SUB)], src_v)
            pltpu.sync_copy(dst_hbm.at[pl.ds(r0, SUB)], dst_v)
            gs = [pltpu.async_copy(table_hbm.at[src_v.at[j]],
                                   rows_v.at[j], sem_g)
                  for j in range(SUB)]
            for g in gs:
                g.wait()
            ss = [pltpu.async_copy(rows_v.at[j],
                                   acc_sh.at[dst_v.at[j]], sem_s, add=True)
                  for j in range(SUB)]
            for t in ss:
                t.wait()
            return carry

        lax.fori_loop(0, KI, edge_body, 0)
        plsc.subcore_barrier()

        pltpu.sync_copy(acc_sh.at[pl.ds(row0, RPT)], stage_v)
        pltpu.sync_copy(stage_v, out_hbm.at[c, pl.ds(row0, RPT)])

    return k


def _tc_layer1(NPP, RB):
    grid = NPP // RB

    def body(a0, a1, t1, m_z, m_d, m_q, s1t, t1t, out):
        S = a0[0] + a1[0]
        dd = (((1,), (0,)), ((), ()))
        z = lax.dot_general(S, m_z[...], dd,
                            preferred_element_type=jnp.float32,
                            precision=lax.Precision.HIGHEST)
        deg = lax.dot_general(S, m_d[...], dd,
                              preferred_element_type=jnp.float32,
                              precision=lax.Precision.HIGHEST)
        q = lax.dot_general(t1[...], m_q[...], dd,
                            preferred_element_type=jnp.float32,
                            precision=lax.Precision.HIGHEST)
        inv = 1.0 / jnp.maximum(deg, 1.0)
        g = (deg > 0).astype(jnp.float32)
        agg = z * inv + g * q
        out[...] = jnp.maximum(agg * s1t[...] + t1t[...], 0.0)

    return pl.pallas_call(
        body,
        grid=(grid,),
        in_specs=[
            pl.BlockSpec((1, RB, 128), lambda i: (0, i, 0)),
            pl.BlockSpec((1, RB, 128), lambda i: (1, i, 0)),
            pl.BlockSpec((RB, 128), lambda i: (i, 0)),
            pl.BlockSpec((128, 128), lambda i: (0, 0)),
            pl.BlockSpec((128, 128), lambda i: (0, 0)),
            pl.BlockSpec((128, 128), lambda i: (0, 0)),
            pl.BlockSpec((1, 128), lambda i: (0, 0)),
            pl.BlockSpec((1, 128), lambda i: (0, 0)),
        ],
        out_specs=pl.BlockSpec((RB, 128), lambda i: (i, 0)),
        out_shape=jax.ShapeDtypeStruct((NPP, 128), jnp.float32),
    )


def _tc_layer2(NPP, RB):
    grid = NPP // RB

    def body(c0, c1, a0, a1, t1, m_z, m_b, m_d, m_q, s2t, t2t, out):
        S1 = c0[0] + c1[0]
        A = a0[0] + a1[0]
        dd = (((1,), (0,)), ((), ()))
        z = (lax.dot_general(S1, m_z[...], dd,
                             preferred_element_type=jnp.float32,
                             precision=lax.Precision.HIGHEST)
             + lax.dot_general(A, m_b[...], dd,
                               preferred_element_type=jnp.float32,
                               precision=lax.Precision.HIGHEST))
        deg = lax.dot_general(A, m_d[...], dd,
                              preferred_element_type=jnp.float32,
                              precision=lax.Precision.HIGHEST)
        q = lax.dot_general(t1[...], m_q[...], dd,
                            preferred_element_type=jnp.float32,
                            precision=lax.Precision.HIGHEST)
        inv = 1.0 / jnp.maximum(deg, 1.0)
        g = (deg > 0).astype(jnp.float32)
        agg = z * inv + g * q
        out[...] = jnp.maximum(agg * s2t[...] + t2t[...], 0.0)

    return pl.pallas_call(
        body,
        grid=(grid,),
        in_specs=[
            pl.BlockSpec((1, RB, 128), lambda i: (0, i, 0)),
            pl.BlockSpec((1, RB, 128), lambda i: (1, i, 0)),
            pl.BlockSpec((1, RB, 128), lambda i: (0, i, 0)),
            pl.BlockSpec((1, RB, 128), lambda i: (1, i, 0)),
            pl.BlockSpec((RB, 128), lambda i: (i, 0)),
            pl.BlockSpec((128, 256), lambda i: (0, 0)),
            pl.BlockSpec((128, 256), lambda i: (0, 0)),
            pl.BlockSpec((128, 256), lambda i: (0, 0)),
            pl.BlockSpec((128, 256), lambda i: (0, 0)),
            pl.BlockSpec((1, 256), lambda i: (0, 0)),
            pl.BlockSpec((1, 256), lambda i: (0, 0)),
        ],
        out_specs=pl.BlockSpec((RB, 256), lambda i: (i, 0)),
        out_shape=jax.ShapeDtypeStruct((NPP, 256), jnp.float32),
    )


def _interior(v, off):
    return lax.pad(v, jnp.float32(0), [(off, W - 1 - off, W - 1)])


def kernel(x, pos, edge_index, W1, b1, s1, t1, W2, b2, s2, t2):
    N = x.shape[0]
    E = edge_index.shape[1]
    NP = ((N + 16 * K - 1) // (16 * K)) * (16 * K)
    NPP = NP // 8
    EPW = ((E + NW * C - 1) // (NW * C)) * C
    EP = EPW * NW

    tflat = (_interior(x[:, 0], 0) + _interior(pos[:, 0], 1)
             + _interior(pos[:, 1], 2) + _interior(pos[:, 2], 3)
             + _interior(jnp.ones((N,), jnp.float32), 4))
    tflat = lax.pad(tflat, jnp.float32(0), [(0, (NP - N) * W, 0)])
    table1 = tflat.reshape(NP, W)

    src = jnp.concatenate(
        [edge_index[0], jnp.full((EP - E,), N, jnp.int32)]).reshape(-1, K)
    dst = jnp.concatenate(
        [edge_index[1], jnp.full((EP - E,), N, jnp.int32)]).reshape(-1, K)

    sc_pass = _sc_segment_sum(NP, EPW)
    partA = sc_pass(table1, src, dst)
    return partA[0, :N, :]

# --- scband reference (transcript-rebuilt; emitter-appended) ---
"""Pipeline reference for scband-test-25924422599416 (READ-ONLY COPY).

The authoritative reference and input builder live on the scoring server;
editing this copy changes nothing except your own understanding.
"""

import jax, jax.numpy as jnp
import numpy as np

N = 50000
E = 1600000

def setup_inputs(seed: int = 0):
    key = jax.random.key(seed)
    ks = jax.random.split(key, 12)
    x = jnp.round(jax.random.uniform(ks[0], (N, 1), dtype=jnp.float32))
    pos = jax.random.uniform(ks[1], (N, 3), dtype=jnp.float32) * 128.0
    edge_index = jax.random.randint(ks[2], (2, E), 0, N, dtype=jnp.int32)
    # Layer 1: fused Conv(in=1 feat + 3 rel-pos -> 16) + BN(scale/shift) + ReLU
    W1 = jax.random.normal(ks[3], (16, 4), dtype=jnp.float32) * 0.1
    b1 = jax.random.normal(ks[4], (16,), dtype=jnp.float32) * 0.1
    s1 = jax.random.uniform(ks[5], (16,), dtype=jnp.float32) + 0.5
    t1 = jax.random.normal(ks[6], (16,), dtype=jnp.float32) * 0.1
    # Layer 2: fused Conv(16 feat + 3 rel-pos -> 32) + BN + ReLU
    W2 = jax.random.normal(ks[7], (32, 19), dtype=jnp.float32) * 0.1
    b2 = jax.random.normal(ks[8], (32,), dtype=jnp.float32) * 0.1
    s2 = jax.random.uniform(ks[9], (32,), dtype=jnp.float32) + 0.5
    t2 = jax.random.normal(ks[10], (32,), dtype=jnp.float32) * 0.1
    return {"x": x, "pos": pos, "edge_index": edge_index,
            "W1": W1, "b1": b1, "s1": s1, "t1": t1,
            "W2": W2, "b2": b2, "s2": s2, "t2": t2}

def _conv_bn_relu(feat, pos, src, dst, W, b, s, t):
    # message: linear on [x_j, pos_j - pos_i]; aggregate mean over incoming edges;
    # then fused-BN affine (scale s, shift t) and ReLU.
    n = feat.shape[0]
    msg_in = jnp.concatenate([feat[src], pos[src] - pos[dst]], axis=1)
    msg = msg_in @ W.T + b
    agg = jax.ops.segment_sum(msg, dst, num_segments=n)
    deg = jax.ops.segment_sum(jnp.ones((dst.shape[0],), dtype=feat.dtype), dst, num_segments=n)
    agg = agg / jnp.maximum(deg, 1.0)[:, None]
    return jax.nn.relu(agg * s + t)

def reference(x, pos, edge_index, W1, b1, s1, t1, W2, b2, s2, t2):
    src = edge_index[0]
    dst = edge_index[1]
    out1 = _conv_bn_relu(x, pos, src, dst, W1, b1, s1, t1)
    out2 = _conv_bn_relu(out1, pos, src, dst, W2, b2, s2, t2)
    return out2

if __name__ == "__main__":
    import jax
    _d = setup_inputs()
    print(jax.jit(kernel)(*tuple(_d.values())))

</pallas_src>

<mosaic_0001>
#map = affine_map<(d0, d1) -> (0, 0)>
#map1 = affine_map<(d0, d1) -> (0, 0, 0)>
module attributes {stable_mosaic.version = 14 : i64} {
  func.func @k(%arg0: i32, %arg1: i32, %arg2: memref<51200x16xf32, #tpu.memory_space<hbm>>, %arg3: memref<12544x128xi32, #tpu.memory_space<hbm>>, %arg4: memref<12544x128xi32, #tpu.memory_space<hbm>>, %arg5: memref<2x51200x16xf32, #tpu.memory_space<hbm>>, %arg6: memref<8x128xi32, #tpu.memory_space<vmem>>, %arg7: memref<8x128xi32, #tpu.memory_space<vmem>>, %arg8: memref<8x128x16xf32, #tpu.memory_space<vmem>>, %arg9: memref<3200x16xf32, #tpu.memory_space<vmem>>, %arg10: memref<51200x16xf32, #tpu.memory_space<vmem_shared>>, %arg11: memref<!tpu.dma_semaphore, #tpu.memory_space<semaphore_mem>>, %arg12: memref<!tpu.dma_semaphore, #tpu.memory_space<semaphore_mem>>) attributes {dimension_semantics = [#tpu.dimension_semantics<core_parallel>, #tpu.dimension_semantics<subcore_parallel>], iteration_bounds = array<i64: 2, 16>, scalar_prefetch = 0 : i64, scratch_operands = 7 : i64, tpu.core_type = #tpu.core_type<sc_vector_subcore>, window_params = [{transform_indices = #map}, {transform_indices = #map}, {transform_indices = #map}, {transform_indices = #map1}]} {
    %mul3A = arith.constant 16 : i32
    %mul3A_0 = arith.muli %arg0, %mul3A : i32
    %add3A = arith.addi %mul3A_0, %arg1 : i32
    %mul3A_1 = arith.constant 3200 : i32
    %mul3A_2 = arith.muli %arg1, %mul3A_1 : i32
    %broadcast_in_dim3A = arith.constant 0.000000e+00 : f32
    %broadcast_in_dim3A_3 = vector.broadcast %broadcast_in_dim3A : f32 to vector<16xf32>
    %scan3A = arith.constant 0 : i32
    %scan3A_4 = arith.constant 0 : i32
    %scan3A_5 = arith.constant 3200 : i32
    %scan3A_6 = arith.addi %scan3A_4, %scan3A_5 : i32
    %scan3A_7 = arith.constant 1 : i32
    scf.for %scan3A_16 = %scan3A_4 to %scan3A_6 step %scan3A_7  : i32 {
      %swap3A = arith.index_cast %scan3A_16 : i32 to index
      %swap3A_17 = arith.constant 0 : index
      %swap3A_18 = tpu.vector_load %arg9[%swap3A, %swap3A_17] {strides = array<i32>} : memref<3200x16xf32, #tpu.memory_space<vmem>>, vector<1x16xf32>,
      %swap3A_19 = vector.shape_cast %swap3A_18 : vector<1x16xf32> to vector<16xf32>
      %swap3A_20 = vector.shape_cast %broadcast_in_dim3A_3 : vector<16xf32> to vector<1x16xf32>
      tpu.vector_store %arg9[%swap3A, %swap3A_17], %swap3A_20 {strides = array<i32>} : memref<3200x16xf32, #tpu.memory_space<vmem>>, vector<1x16xf32>,
    }
    %scan3A_8 = arith.constant 3200 : i32
    "tpu.region"() ({
      %run_scoped3A = tpu.sem_alloc : memref<!tpu.dma_semaphore, #tpu.memory_space<semaphore_mem>>
      %dma_start3A = arith.constant 0 : i32
      %dma_start3A_16 = tpu.memref_slice %arg10[%mul3A_2, %dma_start3A] : memref<51200x16xf32, #tpu.memory_space<vmem_shared>> -> memref<3200x16xf32, #tpu.memory_space<vmem_shared>>
      %dma_start3A_17 = arith.constant 0 : i32
      %dma_start3A_18 = tpu.memref_slice %arg10[%mul3A_2, %dma_start3A_17] : memref<51200x16xf32, #tpu.memory_space<vmem_shared>> -> memref<3200x16xf32, #tpu.memory_space<vmem_shared>>
      tpu.enqueue_dma source(%arg9 : memref<3200x16xf32, #tpu.memory_space<vmem>>) target(%dma_start3A_18 : memref<3200x16xf32, #tpu.memory_space<vmem_shared>>) target_semaphore(%run_scoped3A : memref<!tpu.dma_semaphore, #tpu.memory_space<semaphore_mem>>)
      %dma_wait3A = arith.constant 0 : i32
      %dma_wait3A_19 = tpu.memref_slice %arg10[%mul3A_2, %dma_wait3A] : memref<51200x16xf32, #tpu.memory_space<vmem_shared>> -> memref<3200x16xf32, #tpu.memory_space<vmem_shared>>
      %dma_wait3A_20 = arith.constant 0 : i32
      %dma_wait3A_21 = tpu.memref_slice %arg10[%mul3A_2, %dma_wait3A_20] : memref<51200x16xf32, #tpu.memory_space<vmem_shared>> -> memref<3200x16xf32, #tpu.memory_space<vmem_shared>>
      tpu.wait_dma2 semaphore(%run_scoped3A : memref<!tpu.dma_semaphore, #tpu.memory_space<semaphore_mem>>) src(%arg9 : memref<3200x16xf32, #tpu.memory_space<vmem>>) dst(%dma_wait3A_21 : memref<3200x16xf32, #tpu.memory_space<vmem_shared>>)
      tpu.yield
    }) : () -> ()
    %barrier3A = arith.constant 0 : index
    tpu.barrier barrier_id(%barrier3A)
    %scan3A_9 = arith.constant 0 : i32
    %scan3A_10 = arith.constant 0 : i32
    %scan3A_11 = arith.constant 49 : i32
    %scan3A_12 = arith.addi %scan3A_10, %scan3A_11 : i32
    %scan3A_13 = arith.constant 1 : i32
    scf.for %scan3A_16 = %scan3A_10 to %scan3A_12 step %scan3A_13  : i32 {
      %mul3A_17 = arith.constant 392 : i32
      %mul3A_18 = arith.muli %add3A, %mul3A_17 : i32
      %mul3A_19 = arith.constant 8 : i32
      %mul3A_20 = arith.muli %scan3A_16, %mul3A_19 : i32
      %add3A_21 = arith.addi %mul3A_18, %mul3A_20 : i32
      "tpu.region"() ({
        %run_scoped3A = tpu.sem_alloc : memref<!tpu.dma_semaphore, #tpu.memory_space<semaphore_mem>>
        %dma_start3A_404 = arith.constant 0 : i32
        %dma_start3A_405 = tpu.memref_slice %arg3[%add3A_21, %dma_start3A_404] : memref<12544x128xi32, #tpu.memory_space<hbm>> -> memref<8x128xi32, #tpu.memory_space<hbm>>
        %dma_start3A_406 = arith.constant 0 : i32
        %dma_start3A_407 = tpu.memref_slice %arg3[%add3A_21, %dma_start3A_406] : memref<12544x128xi32, #tpu.memory_space<hbm>> -> memref<8x128xi32, #tpu.memory_space<hbm>>
        tpu.enqueue_dma source(%dma_start3A_407 : memref<8x128xi32, #tpu.memory_space<hbm>>) target(%arg6 : memref<8x128xi32, #tpu.memory_space<vmem>>) target_semaphore(%run_scoped3A : memref<!tpu.dma_semaphore, #tpu.memory_space<semaphore_mem>>)
        %dma_wait3A_408 = arith.constant 0 : i32
        %dma_wait3A_409 = tpu.memref_slice %arg3[%add3A_21, %dma_wait3A_408] : memref<12544x128xi32, #tpu.memory_space<hbm>> -> memref<8x128xi32, #tpu.memory_space<hbm>>
        %dma_wait3A_410 = arith.constant 0 : i32
        %dma_wait3A_411 = tpu.memref_slice %arg3[%add3A_21, %dma_wait3A_410] : memref<12544x128xi32, #tpu.memory_space<hbm>> -> memref<8x128xi32, #tpu.memory_space<hbm>>
        tpu.wait_dma2 semaphore(%run_scoped3A : memref<!tpu.dma_semaphore, #tpu.memory_space<semaphore_mem>>) src(%dma_wait3A_411 : memref<8x128xi32, #tpu.memory_space<hbm>>) dst(%arg6 : memref<8x128xi32, #tpu.memory_space<vmem>>)
        tpu.yield
      }) : () -> ()
      "tpu.region"() ({
        %run_scoped3A = tpu.sem_alloc : memref<!tpu.dma_semaphore, #tpu.memory_space<semaphore_mem>>
        %dma_start3A_404 = arith.constant 0 : i32
        %dma_start3A_405 = tpu.memref_slice %arg4[%add3A_21, %dma_start3A_404] : memref<12544x128xi32, #tpu.memory_space<hbm>> -> memref<8x128xi32, #tpu.memory_space<hbm>>
        %dma_start3A_406 = arith.constant 0 : i32
        %dma_start3A_407 = tpu.memref_slice %arg4[%add3A_21, %dma_start3A_406] : memref<12544x128xi32, #tpu.memory_space<hbm>> -> memref<8x128xi32, #tpu.memory_space<hbm>>
        tpu.enqueue_dma source(%dma_start3A_407 : memref<8x128xi32, #tpu.memory_space<hbm>>) target(%arg7 : memref<8x128xi32, #tpu.memory_space<vmem>>) target_semaphore(%run_scoped3A : memref<!tpu.dma_semaphore, #tpu.memory_space<semaphore_mem>>)
        %dma_wait3A_408 = arith.constant 0 : i32
        %dma_wait3A_409 = tpu.memref_slice %arg4[%add3A_21, %dma_wait3A_408] : memref<12544x128xi32, #tpu.memory_space<hbm>> -> memref<8x128xi32, #tpu.memory_space<hbm>>
        %dma_wait3A_410 = arith.constant 0 : i32
        %dma_wait3A_411 = tpu.memref_slice %arg4[%add3A_21, %dma_wait3A_410] : memref<12544x128xi32, #tpu.memory_space<hbm>> -> memref<8x128xi32, #tpu.memory_space<hbm>>
        tpu.wait_dma2 semaphore(%run_scoped3A : memref<!tpu.dma_semaphore, #tpu.memory_space<semaphore_mem>>) src(%dma_wait3A_411 : memref<8x128xi32, #tpu.memory_space<hbm>>) dst(%arg7 : memref<8x128xi32, #tpu.memory_space<vmem>>)
        tpu.yield
      }) : () -> ()
      %dma_start3A = arith.constant 0 : i32
      %dma_start3A_22 = arith.constant 0 : i32
      %dma_start3A_23 = arith.constant 0 : i32
      %dma_start3A_24 = arith.constant 0 : i32
      %dma_start3A_25 = tpu.memref_slice %arg8[%dma_start3A_22, %dma_start3A_23, %dma_start3A_24] : memref<8x128x16xf32, #tpu.memory_space<vmem>> -> memref<1x128x16xf32, #tpu.memory_space<vmem>>
      %dma_start3A_26 = tpu.memref_squeeze %dma_start3A_25 : memref<1x128x16xf32, #tpu.memory_space<vmem>> -> memref<128x16xf32, #tpu.memory_space<vmem>>
      %dma_start3A_27 = arith.constant 0 : i32
      %dma_start3A_28 = tpu.memref_slice %arg6[%dma_start3A, %dma_start3A_27] : memref<8x128xi32, #tpu.memory_space<vmem>> -> memref<1x128xi32, #tpu.memory_space<vmem>>
      %dma_start3A_29 = tpu.memref_squeeze %dma_start3A_28 : memref<1x128xi32, #tpu.memory_space<vmem>> -> memref<128xi32, #tpu.memory_space<vmem>>
      %dma_start3A_30 = arith.constant 0 : i32
      %dma_start3A_31 = arith.constant 0 : i32
      %dma_start3A_32 = tpu.memref_slice %arg2[%dma_start3A_30, %dma_start3A_31] : memref<51200x16xf32, #tpu.memory_space<hbm>> -> memref<51200x16xf32, #tpu.memory_space<hbm>>
      tpu.enqueue_indirect_dma source(%dma_start3A_32 : memref<51200x16xf32, #tpu.memory_space<hbm>>) target(%dma_start3A_26 : memref<128x16xf32, #tpu.memory_space<vmem>>) offsets(%dma_start3A_29 : memref<128xi32, #tpu.memory_space<vmem>>) semaphore(%arg11 : memref<!tpu.dma_semaphore, #tpu.memory_space<semaphore_mem>>)
      %dma_start3A_33 = arith.constant 1 : i32
      %dma_start3A_34 = arith.constant 1 : i32
      %dma_start3A_35 = arith.constant 0 : i32
      %dma_start3A_36 = arith.constant 0 : i32
      %dma_start3A_37 = tpu.memref_slice %arg8[%dma_start3A_34, %dma_start3A_35, %dma_start3A_36] : memref<8x128x16xf32, #tpu.memory_space<vmem>> -> memref<1x128x16xf32, #tpu.memory_space<vmem>>
      %dma_start3A_38 = tpu.memref_squeeze %dma_start3A_37 : memref<1x128x16xf32, #tpu.memory_space<vmem>> -> memref<128x16xf32, #tpu.memory_space<vmem>>
      %dma_start3A_39 = arith.constant 0 : i32
      %dma_start3A_40 = tpu.memref_slice %arg6[%dma_start3A_33, %dma_start3A_39] : memref<8x128xi32, #tpu.memory_space<vmem>> -> memref<1x128xi32, #tpu.memory_space<vmem>>
      %dma_start3A_41 = tpu.memref_squeeze %dma_start3A_40 : memref<1x128xi32, #tpu.memory_space<vmem>> -> memref<128xi32, #tpu.memory_space<vmem>>
      %dma_start3A_42 = arith.constant 0 : i32
      %dma_start3A_43 = arith.constant 0 : i32
      %dma_start3A_44 = tpu.memref_slice %arg2[%dma_start3A_42, %dma_start3A_43] : memref<51200x16xf32, #tpu.memory_space<hbm>> -> memref<51200x16xf32, #tpu.memory_space<hbm>>
      tpu.enqueue_indirect_dma source(%dma_start3A_44 : memref<51200x16xf32, #tpu.memory_space<hbm>>) target(%dma_start3A_38 : memref<128x16xf32, #tpu.memory_space<vmem>>) offsets(%dma_start3A_41 : memref<128xi32, #tpu.memory_space<vmem>>) semaphore(%arg11 : memref<!tpu.dma_semaphore, #tpu.memory_space<semaphore_mem>>)
      %dma_start3A_45 = arith.constant 2 : i32
      %dma_start3A_46 = arith.constant 2 : i32
      %dma_start3A_47 = arith.constant 0 : i32
      %dma_start3A_48 = arith.constant 0 : i32
      %dma_start3A_49 = tpu.memref_slice %arg8[%dma_start3A_46, %dma_start3A_47, %dma_start3A_48] : memref<8x128x16xf32, #tpu.memory_space<vmem>> -> memref<1x128x16xf32, #tpu.memory_space<vmem>>
      %dma_start3A_50 = tpu.memref_squeeze %dma_start3A_49 : memref<1x128x16xf32, #tpu.memory_space<vmem>> -> memref<128x16xf32, #tpu.memory_space<vmem>>
      %dma_start3A_51 = arith.constant 0 : i32
      %dma_start3A_52 = tpu.memref_slice %arg6[%dma_start3A_45, %dma_start3A_51] : memref<8x128xi32, #tpu.memory_space<vmem>> -> memref<1x128xi32, #tpu.memory_space<vmem>>
      %dma_start3A_53 = tpu.memref_squeeze %dma_start3A_52 : memref<1x128xi32, #tpu.memory_space<vmem>> -> memref<128xi32, #tpu.memory_space<vmem>>
      %dma_start3A_54 = arith.constant 0 : i32
      %dma_start3A_55 = arith.constant 0 : i32
      %dma_start3A_56 = tpu.memref_slice %arg2[%dma_start3A_54, %dma_start3A_55] : memref<51200x16xf32, #tpu.memory_space<hbm>> -> memref<51200x16xf32, #tpu.memory_space<hbm>>
      tpu.enqueue_indirect_dma source(%dma_start3A_56 : memref<51200x16xf32, #tpu.memory_space<hbm>>) target(%dma_start3A_50 : memref<128x16xf32, #tpu.memory_space<vmem>>) offsets(%dma_start3A_53 : memref<128xi32, #tpu.memory_space<vmem>>) semaphore(%arg11 : memref<!tpu.dma_semaphore, #tpu.memory_space<semaphore_mem>>)
      %dma_start3A_57 = arith.constant 3 : i32
      %dma_start3A_58 = arith.constant 3 : i32
      %dma_start3A_59 = arith.constant 0 : i32
      %dma_start3A_60 = arith.constant 0 : i32
      %dma_start3A_61 = tpu.memref_slice %arg8[%dma_start3A_58, %dma_start3A_59, %dma_start3A_60] : memref<8x128x16xf32, #tpu.memory_space<vmem>> -> memref<1x128x16xf32, #tpu.memory_space<vmem>>
      %dma_start3A_62 = tpu.memref_squeeze %dma_start3A_61 : memref<1x128x16xf32, #tpu.memory_space<vmem>> -> memref<128x16xf32, #tpu.memory_space<vmem>>
      %dma_start3A_63 = arith.constant 0 : i32
      %dma_start3A_64 = tpu.memref_slice %arg6[%dma_start3A_57, %dma_start3A_63] : memref<8x128xi32, #tpu.memory_space<vmem>> -> memref<1x128xi32, #tpu.memory_space<vmem>>
      %dma_start3A_65 = tpu.memref_squeeze %dma_start3A_64 : memref<1x128xi32, #tpu.memory_space<vmem>> -> memref<128xi32, #tpu.memory_space<vmem>>
      %dma_start3A_66 = arith.constant 0 : i32
      %dma_start3A_67 = arith.constant 0 : i32
      %dma_start3A_68 = tpu.memref_slice %arg2[%dma_start3A_66, %dma_start3A_67] : memref<51200x16xf32, #tpu.memory_space<hbm>> -> memref<51200x16xf32, #tpu.memory_space<hbm>>
      tpu.enqueue_indirect_dma source(%dma_start3A_68 : memref<51200x16xf32, #tpu.memory_space<hbm>>) target(%dma_start3A_62 : memref<128x16xf32, #tpu.memory_space<vmem>>) offsets(%dma_start3A_65 : memref<128xi32, #tpu.memory_space<vmem>>) semaphore(%arg11 : memref<!tpu.dma_semaphore, #tpu.memory_space<semaphore_mem>>)
      %dma_start3A_69 = arith.constant 4 : i32
      %dma_start3A_70 = arith.constant 4 : i32
      %dma_start3A_71 = arith.constant 0 : i32
      %dma_start3A_72 = arith.constant 0 : i32
      %dma_start3A_73 = tpu.memref_slice %arg8[%dma_start3A_70, %dma_start3A_71, %dma_start3A_72] : memref<8x128x16xf32, #tpu.memory_space<vmem>> -> memref<1x128x16xf32, #tpu.memory_space<vmem>>
      %dma_start3A_74 = tpu.memref_squeeze %dma_start3A_73 : memref<1x128x16xf32, #tpu.memory_space<vmem>> -> memref<128x16xf32, #tpu.memory_space<vmem>>
      %dma_start3A_75 = arith.constant 0 : i32
      %dma_start3A_76 = tpu.memref_slice %arg6[%dma_start3A_69, %dma_start3A_75] : memref<8x128xi32, #tpu.memory_space<vmem>> -> memref<1x128xi32, #tpu.memory_space<vmem>>
      %dma_start3A_77 = tpu.memref_squeeze %dma_start3A_76 : memref<1x128xi32, #tpu.memory_space<vmem>> -> memref<128xi32, #tpu.memory_space<vmem>>
      %dma_start3A_78 = arith.constant 0 : i32
      %dma_start3A_79 = arith.constant 0 : i32
      %dma_start3A_80 = tpu.memref_slice %arg2[%dma_start3A_78, %dma_start3A_79] : memref<51200x16xf32, #tpu.memory_space<hbm>> -> memref<51200x16xf32, #tpu.memory_space<hbm>>
      tpu.enqueue_indirect_dma source(%dma_start3A_80 : memref<51200x16xf32, #tpu.memory_space<hbm>>) target(%dma_start3A_74 : memref<128x16xf32, #tpu.memory_space<vmem>>) offsets(%dma_start3A_77 : memref<128xi32, #tpu.memory_space<vmem>>) semaphore(%arg11 : memref<!tpu.dma_semaphore, #tpu.memory_space<semaphore_mem>>)
      %dma_start3A_81 = arith.constant 5 : i32
      %dma_start3A_82 = arith.constant 5 : i32
      %dma_start3A_83 = arith.constant 0 : i32
      %dma_start3A_84 = arith.constant 0 : i32
      %dma_start3A_85 = tpu.memref_slice %arg8[%dma_start3A_82, %dma_start3A_83, %dma_start3A_84] : memref<8x128x16xf32, #tpu.memory_space<vmem>> -> memref<1x128x16xf32, #tpu.memory_space<vmem>>
      %dma_start3A_86 = tpu.memref_squeeze %dma_start3A_85 : memref<1x128x16xf32, #tpu.memory_space<vmem>> -> memref<128x16xf32, #tpu.memory_space<vmem>>
      %dma_start3A_87 = arith.constant 0 : i32
      %dma_start3A_88 = tpu.memref_slice %arg6[%dma_start3A_81, %dma_start3A_87] : memref<8x128xi32, #tpu.memory_space<vmem>> -> memref<1x128xi32, #tpu.memory_space<vmem>>
      %dma_start3A_89 = tpu.memref_squeeze %dma_start3A_88 : memref<1x128xi32, #tpu.memory_space<vmem>> -> memref<128xi32, #tpu.memory_space<vmem>>
      %dma_start3A_90 = arith.constant 0 : i32
      %dma_start3A_91 = arith.constant 0 : i32
      %dma_start3A_92 = tpu.memref_slice %arg2[%dma_start3A_90, %dma_start3A_91] : memref<51200x16xf32, #tpu.memory_space<hbm>> -> memref<51200x16xf32, #tpu.memory_space<hbm>>
      tpu.enqueue_indirect_dma source(%dma_start3A_92 : memref<51200x16xf32, #tpu.memory_space<hbm>>) target(%dma_start3A_86 : memref<128x16xf32, #tpu.memory_space<vmem>>) offsets(%dma_start3A_89 : memref<128xi32, #tpu.memory_space<vmem>>) semaphore(%arg11 : memref<!tpu.dma_semaphore, #tpu.memory_space<semaphore_mem>>)
      %dma_start3A_93 = arith.constant 6 : i32
      %dma_start3A_94 = arith.constant 6 : i32
      %dma_start3A_95 = arith.constant 0 : i32
      %dma_start3A_96 = arith.constant 0 : i32
      %dma_start3A_97 = tpu.memref_slice %arg8[%dma_start3A_94, %dma_start3A_95, %dma_start3A_96] : memref<8x128x16xf32, #tpu.memory_space<vmem>> -> memref<1x128x16xf32, #tpu.memory_space<vmem>>
      %dma_start3A_98 = tpu.memref_squeeze %dma_start3A_97 : memref<1x128x16xf32, #tpu.memory_space<vmem>> -> memref<128x16xf32, #tpu.memory_space<vmem>>
      %dma_start3A_99 = arith.constant 0 : i32
      %dma_start3A_100 = tpu.memref_slice %arg6[%dma_start3A_93, %dma_start3A_99] : memref<8x128xi32, #tpu.memory_space<vmem>> -> memref<1x128xi32, #tpu.memory_space<vmem>>
      %dma_start3A_101 = tpu.memref_squeeze %dma_start3A_100 : memref<1x128xi32, #tpu.memory_space<vmem>> -> memref<128xi32, #tpu.memory_space<vmem>>
      %dma_start3A_102 = arith.constant 0 : i32
      %dma_start3A_103 = arith.constant 0 : i32
      %dma_start3A_104 = tpu.memref_slice %arg2[%dma_start3A_102, %dma_start3A_103] : memref<51200x16xf32, #tpu.memory_space<hbm>> -> memref<51200x16xf32, #tpu.memory_space<hbm>>
      tpu.enqueue_indirect_dma source(%dma_start3A_104 : memref<51200x16xf32, #tpu.memory_space<hbm>>) target(%dma_start3A_98 : memref<128x16xf32, #tpu.memory_space<vmem>>) offsets(%dma_start3A_101 : memref<128xi32, #tpu.memory_space<vmem>>) semaphore(%arg11 : memref<!tpu.dma_semaphore, #tpu.memory_space<semaphore_mem>>)
      %dma_start3A_105 = arith.constant 7 : i32
      %dma_start3A_106 = arith.constant 7 : i32
      %dma_start3A_107 = arith.constant 0 : i32
      %dma_start3A_108 = arith.constant 0 : i32
      %dma_start3A_109 = tpu.memref_slice %arg8[%dma_start3A_106, %dma_start3A_107, %dma_start3A_108] : memref<8x128x16xf32, #tpu.memory_space<vmem>> -> memref<1x128x16xf32, #tpu.memory_space<vmem>>
      %dma_start3A_110 = tpu.memref_squeeze %dma_start3A_109 : memref<1x128x16xf32, #tpu.memory_space<vmem>> -> memref<128x16xf32, #tpu.memory_space<vmem>>
      %dma_start3A_111 = arith.constant 0 : i32
      %dma_start3A_112 = tpu.memref_slice %arg6[%dma_start3A_105, %dma_start3A_111] : memref<8x128xi32, #tpu.memory_space<vmem>> -> memref<1x128xi32, #tpu.memory_space<vmem>>
      %dma_start3A_113 = tpu.memref_squeeze %dma_start3A_112 : memref<1x128xi32, #tpu.memory_space<vmem>> -> memref<128xi32, #tpu.memory_space<vmem>>
      %dma_start3A_114 = arith.constant 0 : i32
      %dma_start3A_115 = arith.constant 0 : i32
      %dma_start3A_116 = tpu.memref_slice %arg2[%dma_start3A_114, %dma_start3A_115] : memref<51200x16xf32, #tpu.memory_space<hbm>> -> memref<51200x16xf32, #tpu.memory_space<hbm>>
      tpu.enqueue_indirect_dma source(%dma_start3A_116 : memref<51200x16xf32, #tpu.memory_space<hbm>>) target(%dma_start3A_110 : memref<128x16xf32, #tpu.memory_space<vmem>>) offsets(%dma_start3A_113 : memref<128xi32, #tpu.memory_space<vmem>>) semaphore(%arg11 : memref<!tpu.dma_semaphore, #tpu.memory_space<semaphore_mem>>)
      %dma_wait3A = arith.constant 0 : i32
      %dma_wait3A_117 = arith.constant 0 : i32
      %dma_wait3A_118 = arith.constant 0 : i32
      %dma_wait3A_119 = arith.constant 0 : i32
      %dma_wait3A_120 = tpu.memref_slice %arg8[%dma_wait3A_117, %dma_wait3A_118, %dma_wait3A_119] : memref<8x128x16xf32, #tpu.memory_space<vmem>> -> memref<1x128x16xf32, #tpu.memory_space<vmem>>
      %dma_wait3A_121 = tpu.memref_squeeze %dma_wait3A_120 : memref<1x128x16xf32, #tpu.memory_space<vmem>> -> memref<128x16xf32, #tpu.memory_space<vmem>>
      %dma_wait3A_122 = arith.constant 0 : i32
      %dma_wait3A_123 = tpu.memref_slice %arg6[%dma_wait3A, %dma_wait3A_122] : memref<8x128xi32, #tpu.memory_space<vmem>> -> memref<1x128xi32, #tpu.memory_space<vmem>>
      %dma_wait3A_124 = tpu.memref_squeeze %dma_wait3A_123 : memref<1x128xi32, #tpu.memory_space<vmem>> -> memref<128xi32, #tpu.memory_space<vmem>>
      %dma_wait3A_125 = arith.constant 0 : i32
      %dma_wait3A_126 = arith.constant 0 : i32
      %dma_wait3A_127 = tpu.memref_slice %arg2[%dma_wait3A_125, %dma_wait3A_126] : memref<51200x16xf32, #tpu.memory_space<hbm>> -> memref<51200x16xf32, #tpu.memory_space<hbm>>
      tpu.wait_indirect_dma semaphore(%arg11 : memref<!tpu.dma_semaphore, #tpu.memory_space<semaphore_mem>>) src(%dma_wait3A_127 : memref<51200x16xf32, #tpu.memory_space<hbm>>) dst(%dma_wait3A_121 : memref<128x16xf32, #tpu.memory_space<vmem>>)
      %dma_wait3A_128 = arith.constant 1 : i32
      %dma_wait3A_129 = arith.constant 1 : i32
      %dma_wait3A_130 = arith.constant 0 : i32
      %dma_wait3A_131 = arith.constant 0 : i32
      %dma_wait3A_132 = tpu.memref_slice %arg8[%dma_wait3A_129, %dma_wait3A_130, %dma_wait3A_131] : memref<8x128x16xf32, #tpu.memory_space<vmem>> -> memref<1x128x16xf32, #tpu.memory_space<vmem>>
      %dma_wait3A_133 = tpu.memref_squeeze %dma_wait3A_132 : memref<1x128x16xf32, #tpu.memory_space<vmem>> -> memref<128x16xf32, #tpu.memory_space<vmem>>
      %dma_wait3A_134 = arith.constant 0 : i32
      %dma_wait3A_135 = tpu.memref_slice %arg6[%dma_wait3A_128, %dma_wait3A_134] : memref<8x128xi32, #tpu.memory_space<vmem>> -> memref<1x128xi32, #tpu.memory_space<vmem>>
      %dma_wait3A_136 = tpu.memref_squeeze %dma_wait3A_135 : memref<1x128xi32, #tpu.memory_space<vmem>> -> memref<128xi32, #tpu.memory_space<vmem>>
      %dma_wait3A_137 = arith.constant 0 : i32
      %dma_wait3A_138 = arith.constant 0 : i32
      %dma_wait3A_139 = tpu.memref_slice %arg2[%dma_wait3A_137, %dma_wait3A_138] : memref<51200x16xf32, #tpu.memory_space<hbm>> -> memref<51200x16xf32, #tpu.memory_space<hbm>>
      tpu.wait_indirect_dma semaphore(%arg11 : memref<!tpu.dma_semaphore, #tpu.memory_space<semaphore_mem>>) src(%dma_wait3A_139 : memref<51200x16xf32, #tpu.memory_space<hbm>>) dst(%dma_wait3A_133 : memref<128x16xf32, #tpu.memory_space<vmem>>)
      %dma_wait3A_140 = arith.constant 2 : i32
      %dma_wait3A_141 = arith.constant 2 : i32
      %dma_wait3A_142 = arith.constant 0 : i32
      %dma_wait3A_143 = arith.constant 0 : i32
      %dma_wait3A_144 = tpu.memref_slice %arg8[%dma_wait3A_141, %dma_wait3A_142, %dma_wait3A_143] : memref<8x128x16xf32, #tpu.memory_space<vmem>> -> memref<1x128x16xf32, #tpu.memory_space<vmem>>
      %dma_wait3A_145 = tpu.memref_squeeze %dma_wait3A_144 : memref<1x128x16xf32, #tpu.memory_space<vmem>> -> memref<128x16xf32, #tpu.memory_space<vmem>>
      %dma_wait3A_146 = arith.constant 0 : i32
      %dma_wait3A_147 = tpu.memref_slice %arg6[%dma_wait3A_140, %dma_wait3A_146] : memref<8x128xi32, #tpu.memory_space<vmem>> -> memref<1x128xi32, #tpu.memory_space<vmem>>
      %dma_wait3A_148 = tpu.memref_squeeze %dma_wait3A_147 : memref<1x128xi32, #tpu.memory_space<vmem>> -> memref<128xi32, #tpu.memory_space<vmem>>
      %dma_wait3A_149 = arith.constant 0 : i32
      %dma_wait3A_150 = arith.constant 0 : i32
      %dma_wait3A_151 = tpu.memref_slice %arg2[%dma_wait3A_149, %dma_wait3A_150] : memref<51200x16xf32, #tpu.memory_space<hbm>> -> memref<51200x16xf32, #tpu.memory_space<hbm>>
      tpu.wait_indirect_dma semaphore(%arg11 : memref<!tpu.dma_semaphore, #tpu.memory_space<semaphore_mem>>) src(%dma_wait3A_151 : memref<51200x16xf32, #tpu.memory_space<hbm>>) dst(%dma_wait3A_145 : memref<128x16xf32, #tpu.memory_space<vmem>>)
      %dma_wait3A_152 = arith.constant 3 : i32
      %dma_wait3A_153 = arith.constant 3 : i32
      %dma_wait3A_154 = arith.constant 0 : i32
      %dma_wait3A_155 = arith.constant 0 : i32
      %dma_wait3A_156 = tpu.memref_slice %arg8[%dma_wait3A_153, %dma_wait3A_154, %dma_wait3A_155] : memref<8x128x16xf32, #tpu.memory_space<vmem>> -> memref<1x128x16xf32, #tpu.memory_space<vmem>>
      %dma_wait3A_157 = tpu.memref_squeeze %dma_wait3A_156 : memref<1x128x16xf32, #tpu.memory_space<vmem>> -> memref<128x16xf32, #tpu.memory_space<vmem>>
      %dma_wait3A_158 = arith.constant 0 : i32
      %dma_wait3A_159 = tpu.memref_slice %arg6[%dma_wait3A_152, %dma_wait3A_158] : memref<8x128xi32, #tpu.memory_space<vmem>> -> memref<1x128xi32, #tpu.memory_space<vmem>>
      %dma_wait3A_160 = tpu.memref_squeeze %dma_wait3A_159 : memref<1x128xi32, #tpu.memory_space<vmem>> -> memref<128xi32, #tpu.memory_space<vmem>>
      %dma_wait3A_161 = arith.constant 0 : i32
      %dma_wait3A_162 = arith.constant 0 : i32
      %dma_wait3A_163 = tpu.memref_slice %arg2[%dma_wait3A_161, %dma_wait3A_162] : memref<51200x16xf32, #tpu.memory_space<hbm>> -> memref<51200x16xf32, #tpu.memory_space<hbm>>
      tpu.wait_indirect_dma semaphore(%arg11 : memref<!tpu.dma_semaphore, #tpu.memory_space<semaphore_mem>>) src(%dma_wait3A_163 : memref<51200x16xf32, #tpu.memory_space<hbm>>) dst(%dma_wait3A_157 : memref<128x16xf32, #tpu.memory_space<vmem>>)
      %dma_wait3A_164 = arith.constant 4 : i32
      %dma_wait3A_165 = arith.constant 4 : i32
      %dma_wait3A_166 = arith.constant 0 : i32
      %dma_wait3A_167 = arith.constant 0 : i32
      %dma_wait3A_168 = tpu.memref_slice %arg8[%dma_wait3A_165, %dma_wait3A_166, %dma_wait3A_167] : memref<8x128x16xf32, #tpu.memory_space<vmem>> -> memref<1x128x16xf32, #tpu.memory_space<vmem>>
      %dma_wait3A_169 = tpu.memref_squeeze %dma_wait3A_168 : memref<1x128x16xf32, #tpu.memory_space<vmem>> -> memref<128x16xf32, #tpu.memory_space<vmem>>
      %dma_wait3A_170 = arith.constant 0 : i32
      %dma_wait3A_171 = tpu.memref_slice %arg6[%dma_wait3A_164, %dma_wait3A_170] : memref<8x128xi32, #tpu.memory_space<vmem>> -> memref<1x128xi32, #tpu.memory_space<vmem>>
      %dma_wait3A_172 = tpu.memref_squeeze %dma_wait3A_171 : memref<1x128xi32, #tpu.memory_space<vmem>> -> memref<128xi32, #tpu.memory_space<vmem>>
      %dma_wait3A_173 = arith.constant 0 : i32
      %dma_wait3A_174 = arith.constant 0 : i32
      %dma_wait3A_175 = tpu.memref_slice %arg2[%dma_wait3A_173, %dma_wait3A_174] : memref<51200x16xf32, #tpu.memory_space<hbm>> -> memref<51200x16xf32, #tpu.memory_space<hbm>>
      tpu.wait_indirect_dma semaphore(%arg11 : memref<!tpu.dma_semaphore, #tpu.memory_space<semaphore_mem>>) src(%dma_wait3A_175 : memref<51200x16xf32, #tpu.memory_space<hbm>>) dst(%dma_wait3A_169 : memref<128x16xf32, #tpu.memory_space<vmem>>)
      %dma_wait3A_176 = arith.constant 5 : i32
      %dma_wait3A_177 = arith.constant 5 : i32
      %dma_wait3A_178 = arith.constant 0 : i32
      %dma_wait3A_179 = arith.constant 0 : i32
      %dma_wait3A_180 = tpu.memref_slice %arg8[%dma_wait3A_177, %dma_wait3A_178, %dma_wait3A_179] : memref<8x128x16xf32, #tpu.memory_space<vmem>> -> memref<1x128x16xf32, #tpu.memory_space<vmem>>
      %dma_wait3A_181 = tpu.memref_squeeze %dma_wait3A_180 : memref<1x128x16xf32, #tpu.memory_space<vmem>> -> memref<128x16xf32, #tpu.memory_space<vmem>>
      %dma_wait3A_182 = arith.constant 0 : i32
      %dma_wait3A_183 = tpu.memref_slice %arg6[%dma_wait3A_176, %dma_wait3A_182] : memref<8x128xi32, #tpu.memory_space<vmem>> -> memref<1x128xi32, #tpu.memory_space<vmem>>
      %dma_wait3A_184 = tpu.memref_squeeze %dma_wait3A_183 : memref<1x128xi32, #tpu.memory_space<vmem>> -> memref<128xi32, #tpu.memory_space<vmem>>
      %dma_wait3A_185 = arith.constant 0 : i32
      %dma_wait3A_186 = arith.constant 0 : i32
      %dma_wait3A_187 = tpu.memref_slice %arg2[%dma_wait3A_185, %dma_wait3A_186] : memref<51200x16xf32, #tpu.memory_space<hbm>> -> memref<51200x16xf32, #tpu.memory_space<hbm>>
      tpu.wait_indirect_dma semaphore(%arg11 : memref<!tpu.dma_semaphore, #tpu.memory_space<semaphore_mem>>) src(%dma_wait3A_187 : memref<51200x16xf32, #tpu.memory_space<hbm>>) dst(%dma_wait3A_181 : memref<128x16xf32, #tpu.memory_space<vmem>>)
      %dma_wait3A_188 = arith.constant 6 : i32
      %dma_wait3A_189 = arith.constant 6 : i32
      %dma_wait3A_190 = arith.constant 0 : i32
      %dma_wait3A_191 = arith.constant 0 : i32
      %dma_wait3A_192 = tpu.memref_slice %arg8[%dma_wait3A_189, %dma_wait3A_190, %dma_wait3A_191] : memref<8x128x16xf32, #tpu.memory_space<vmem>> -> memref<1x128x16xf32, #tpu.memory_space<vmem>>
      %dma_wait3A_193 = tpu.memref_squeeze %dma_wait3A_192 : memref<1x128x16xf32, #tpu.memory_space<vmem>> -> memref<128x16xf32, #tpu.memory_space<vmem>>
      %dma_wait3A_194 = arith.constant 0 : i32
      %dma_wait3A_195 = tpu.memref_slice %arg6[%dma_wait3A_188, %dma_wait3A_194] : memref<8x128xi32, #tpu.memory_space<vmem>> -> memref<1x128xi32, #tpu.memory_space<vmem>>
      %dma_wait3A_196 = tpu.memref_squeeze %dma_wait3A_195 : memref<1x128xi32, #tpu.memory_space<vmem>> -> memref<128xi32, #tpu.memory_space<vmem>>
      %dma_wait3A_197 = arith.constant 0 : i32
      %dma_wait3A_198 = arith.constant 0 : i32
      %dma_wait3A_199 = tpu.memref_slice %arg2[%dma_wait3A_197, %dma_wait3A_198] : memref<51200x16xf32, #tpu.memory_space<hbm>> -> memref<51200x16xf32, #tpu.memory_space<hbm>>
      tpu.wait_indirect_dma semaphore(%arg11 : memref<!tpu.dma_semaphore, #tpu.memory_space<semaphore_mem>>) src(%dma_wait3A_199 : memref<51200x16xf32, #tpu.memory_space<hbm>>) dst(%dma_wait3A_193 : memref<128x16xf32, #tpu.memory_space<vmem>>)
      %dma_wait3A_200 = arith.constant 7 : i32
      %dma_wait3A_201 = arith.constant 7 : i32
      %dma_wait3A_202 = arith.constant 0 : i32
      %dma_wait3A_203 = arith.constant 0 : i32
      %dma_wait3A_204 = tpu.memref_slice %arg8[%dma_wait3A_201, %dma_wait3A_202, %dma_wait3A_203] : memref<8x128x16xf32, #tpu.memory_space<vmem>> -> memref<1x128x16xf32, #tpu.memory_space<vmem>>
      %dma_wait3A_205 = tpu.memref_squeeze %dma_wait3A_204 : memref<1x128x16xf32, #tpu.memory_space<vmem>> -> memref<128x16xf32, #tpu.memory_space<vmem>>
      %dma_wait3A_206 = arith.constant 0 : i32
      %dma_wait3A_207 = tpu.memref_slice %arg6[%dma_wait3A_200, %dma_wait3A_206] : memref<8x128xi32, #tpu.memory_space<vmem>> -> memref<1x128xi32, #tpu.memory_space<vmem>>
      %dma_wait3A_208 = tpu.memref_squeeze %dma_wait3A_207 : memref<1x128xi32, #tpu.memory_space<vmem>> -> memref<128xi32, #tpu.memory_space<vmem>>
      %dma_wait3A_209 = arith.constant 0 : i32
      %dma_wait3A_210 = arith.constant 0 : i32
      %dma_wait3A_211 = tpu.memref_slice %arg2[%dma_wait3A_209, %dma_wait3A_210] : memref<51200x16xf32, #tpu.memory_space<hbm>> -> memref<51200x16xf32, #tpu.memory_space<hbm>>
      tpu.wait_indirect_dma semaphore(%arg11 : memref<!tpu.dma_semaphore, #tpu.memory_space<semaphore_mem>>) src(%dma_wait3A_211 : memref<51200x16xf32, #tpu.memory_space<hbm>>) dst(%dma_wait3A_205 : memref<128x16xf32, #tpu.memory_space<vmem>>)
      %dma_start3A_212 = arith.constant 0 : i32
      %dma_start3A_213 = arith.constant 0 : i32
      %dma_start3A_214 = arith.constant 0 : i32
      %dma_start3A_215 = arith.constant 0 : i32
      %dma_start3A_216 = tpu.memref_slice %arg8[%dma_start3A_212, %dma_start3A_214, %dma_start3A_215] : memref<8x128x16xf32, #tpu.memory_space<vmem>> -> memref<1x128x16xf32, #tpu.memory_space<vmem>>
      %dma_start3A_217 = tpu.memref_squeeze %dma_start3A_216 : memref<1x128x16xf32, #tpu.memory_space<vmem>> -> memref<128x16xf32, #tpu.memory_space<vmem>>
      %dma_start3A_218 = arith.constant 0 : i32
      %dma_start3A_219 = tpu.memref_slice %arg7[%dma_start3A_213, %dma_start3A_218] : memref<8x128xi32, #tpu.memory_space<vmem>> -> memref<1x128xi32, #tpu.memory_space<vmem>>
      %dma_start3A_220 = tpu.memref_squeeze %dma_start3A_219 : memref<1x128xi32, #tpu.memory_space<vmem>> -> memref<128xi32, #tpu.memory_space<vmem>>
      %dma_start3A_221 = arith.constant 0 : i32
      %dma_start3A_222 = arith.constant 0 : i32
      %dma_start3A_223 = tpu.memref_slice %arg10[%dma_start3A_221, %dma_start3A_222] : memref<51200x16xf32, #tpu.memory_space<vmem_shared>> -> memref<51200x16xf32, #tpu.memory_space<vmem_shared>>
      tpu.enqueue_indirect_dma source(%dma_start3A_217 : memref<128x16xf32, #tpu.memory_space<vmem>>) target(%dma_start3A_223 : memref<51200x16xf32, #tpu.memory_space<vmem_shared>>) offsets(%dma_start3A_220 : memref<128xi32, #tpu.memory_space<vmem>>) semaphore(%arg12 : memref<!tpu.dma_semaphore, #tpu.memory_space<semaphore_mem>>) {add = true}
      %dma_start3A_224 = arith.constant 1 : i32
      %dma_start3A_225 = arith.constant 1 : i32
      %dma_start3A_226 = arith.constant 0 : i32
      %dma_start3A_227 = arith.constant 0 : i32
      %dma_start3A_228 = tpu.memref_slice %arg8[%dma_start3A_224, %dma_start3A_226, %dma_start3A_227] : memref<8x128x16xf32, #tpu.memory_space<vmem>> -> memref<1x128x16xf32, #tpu.memory_space<vmem>>
      %dma_start3A_229 = tpu.memref_squeeze %dma_start3A_228 : memref<1x128x16xf32, #tpu.memory_space<vmem>> -> memref<128x16xf32, #tpu.memory_space<vmem>>
      %dma_start3A_230 = arith.constant 0 : i32
      %dma_start3A_231 = tpu.memref_slice %arg7[%dma_start3A_225, %dma_start3A_230] : memref<8x128xi32, #tpu.memory_space<vmem>> -> memref<1x128xi32, #tpu.memory_space<vmem>>
      %dma_start3A_232 = tpu.memref_squeeze %dma_start3A_231 : memref<1x128xi32, #tpu.memory_space<vmem>> -> memref<128xi32, #tpu.memory_space<vmem>>
      %dma_start3A_233 = arith.constant 0 : i32
      %dma_start3A_234 = arith.constant 0 : i32
      %dma_start3A_235 = tpu.memref_slice %arg10[%dma_start3A_233, %dma_start3A_234] : memref<51200x16xf32, #tpu.memory_space<vmem_shared>> -> memref<51200x16xf32, #tpu.memory_space<vmem_shared>>
      tpu.enqueue_indirect_dma source(%dma_start3A_229 : memref<128x16xf32, #tpu.memory_space<vmem>>) target(%dma_start3A_235 : memref<51200x16xf32, #tpu.memory_space<vmem_shared>>) offsets(%dma_start3A_232 : memref<128xi32, #tpu.memory_space<vmem>>) semaphore(%arg12 : memref<!tpu.dma_semaphore, #tpu.memory_space<semaphore_mem>>) {add = true}
      %dma_start3A_236 = arith.constant 2 : i32
      %dma_start3A_237 = arith.constant 2 : i32
      %dma_start3A_238 = arith.constant 0 : i32
      %dma_start3A_239 = arith.constant 0 : i32
      %dma_start3A_240 = tpu.memref_slice %arg8[%dma_start3A_236, %dma_start3A_238, %dma_start3A_239] : memref<8x128x16xf32, #tpu.memory_space<vmem>> -> memref<1x128x16xf32, #tpu.memory_space<vmem>>
      %dma_start3A_241 = tpu.memref_squeeze %dma_start3A_240 : memref<1x128x16xf32, #tpu.memory_space<vmem>> -> memref<128x16xf32, #tpu.memory_space<vmem>>
      %dma_start3A_242 = arith.constant 0 : i32
      %dma_start3A_243 = tpu.memref_slice %arg7[%dma_start3A_237, %dma_start3A_242] : memref<8x128xi32, #tpu.memory_space<vmem>> -> memref<1x128xi32, #tpu.memory_space<vmem>>
      %dma_start3A_244 = tpu.memref_squeeze %dma_start3A_243 : memref<1x128xi32, #tpu.memory_space<vmem>> -> memref<128xi32, #tpu.memory_space<vmem>>
      %dma_start3A_245 = arith.constant 0 : i32
      %dma_start3A_246 = arith.constant 0 : i32
      %dma_start3A_247 = tpu.memref_slice %arg10[%dma_start3A_245, %dma_start3A_246] : memref<51200x16xf32, #tpu.memory_space<vmem_shared>> -> memref<51200x16xf32, #tpu.memory_space<vmem_shared>>
      tpu.enqueue_indirect_dma source(%dma_start3A_241 : memref<128x16xf32, #tpu.memory_space<vmem>>) target(%dma_start3A_247 : memref<51200x16xf32, #tpu.memory_space<vmem_shared>>) offsets(%dma_start3A_244 : memref<128xi32, #tpu.memory_space<vmem>>) semaphore(%arg12 : memref<!tpu.dma_semaphore, #tpu.memory_space<semaphore_mem>>) {add = true}
      %dma_start3A_248 = arith.constant 3 : i32
      %dma_start3A_249 = arith.constant 3 : i32
      %dma_start3A_250 = arith.constant 0 : i32
      %dma_start3A_251 = arith.constant 0 : i32
      %dma_start3A_252 = tpu.memref_slice %arg8[%dma_start3A_248, %dma_start3A_250, %dma_start3A_251] : memref<8x128x16xf32, #tpu.memory_space<vmem>> -> memref<1x128x16xf32, #tpu.memory_space<vmem>>
      %dma_start3A_253 = tpu.memref_squeeze %dma_start3A_252 : memref<1x128x16xf32, #tpu.memory_space<vmem>> -> memref<128x16xf32, #tpu.memory_space<vmem>>
      %dma_start3A_254 = arith.constant 0 : i32
      %dma_start3A_255 = tpu.memref_slice %arg7[%dma_start3A_249, %dma_start3A_254] : memref<8x128xi32, #tpu.memory_space<vmem>> -> memref<1x128xi32, #tpu.memory_space<vmem>>
      %dma_start3A_256 = tpu.memref_squeeze %dma_start3A_255 : memref<1x128xi32, #tpu.memory_space<vmem>> -> memref<128xi32, #tpu.memory_space<vmem>>
      %dma_start3A_257 = arith.constant 0 : i32
      %dma_start3A_258 = arith.constant 0 : i32
      %dma_start3A_259 = tpu.memref_slice %arg10[%dma_start3A_257, %dma_start3A_258] : memref<51200x16xf32, #tpu.memory_space<vmem_shared>> -> memref<51200x16xf32, #tpu.memory_space<vmem_shared>>
      tpu.enqueue_indirect_dma source(%dma_start3A_253 : memref<128x16xf32, #tpu.memory_space<vmem>>) target(%dma_start3A_259 : memref<51200x16xf32, #tpu.memory_space<vmem_shared>>) offsets(%dma_start3A_256 : memref<128xi32, #tpu.memory_space<vmem>>) semaphore(%arg12 : memref<!tpu.dma_semaphore, #tpu.memory_space<semaphore_mem>>) {add = true}
      %dma_start3A_260 = arith.constant 4 : i32
      %dma_start3A_261 = arith.constant 4 : i32
      %dma_start3A_262 = arith.constant 0 : i32
      %dma_start3A_263 = arith.constant 0 : i32
      %dma_start3A_264 = tpu.memref_slice %arg8[%dma_start3A_260, %dma_start3A_262, %dma_start3A_263] : memref<8x128x16xf32, #tpu.memory_space<vmem>> -> memref<1x128x16xf32, #tpu.memory_space<vmem>>
      %dma_start3A_265 = tpu.memref_squeeze %dma_start3A_264 : memref<1x128x16xf32, #tpu.memory_space<vmem>> -> memref<128x16xf32, #tpu.memory_space<vmem>>
      %dma_start3A_266 = arith.constant 0 : i32
      %dma_start3A_267 = tpu.memref_slice %arg7[%dma_start3A_261, %dma_start3A_266] : memref<8x128xi32, #tpu.memory_space<vmem>> -> memref<1x128xi32, #tpu.memory_space<vmem>>
      %dma_start3A_268 = tpu.memref_squeeze %dma_start3A_267 : memref<1x128xi32, #tpu.memory_space<vmem>> -> memref<128xi32, #tpu.memory_space<vmem>>
      %dma_start3A_269 = arith.constant 0 : i32
      %dma_start3A_270 = arith.constant 0 : i32
      %dma_start3A_271 = tpu.memref_slice %arg10[%dma_start3A_269, %dma_start3A_270] : memref<51200x16xf32, #tpu.memory_space<vmem_shared>> -> memref<51200x16xf32, #tpu.memory_space<vmem_shared>>
      tpu.enqueue_indirect_dma source(%dma_start3A_265 : memref<128x16xf32, #tpu.memory_space<vmem>>) target(%dma_start3A_271 : memref<51200x16xf32, #tpu.memory_space<vmem_shared>>) offsets(%dma_start3A_268 : memref<128xi32, #tpu.memory_space<vmem>>) semaphore(%arg12 : memref<!tpu.dma_semaphore, #tpu.memory_space<semaphore_mem>>) {add = true}
      %dma_start3A_272 = arith.constant 5 : i32
      %dma_start3A_273 = arith.constant 5 : i32
      %dma_start3A_274 = arith.constant 0 : i32
      %dma_start3A_275 = arith.constant 0 : i32
      %dma_start3A_276 = tpu.memref_slice %arg8[%dma_start3A_272, %dma_start3A_274, %dma_start3A_275] : memref<8x128x16xf32, #tpu.memory_space<vmem>> -> memref<1x128x16xf32, #tpu.memory_space<vmem>>
      %dma_start3A_277 = tpu.memref_squeeze %dma_start3A_276 : memref<1x128x16xf32, #tpu.memory_space<vmem>> -> memref<128x16xf32, #tpu.memory_space<vmem>>
      %dma_start3A_278 = arith.constant 0 : i32
      %dma_start3A_279 = tpu.memref_slice %arg7[%dma_start3A_273, %dma_start3A_278] : memref<8x128xi32, #tpu.memory_space<vmem>> -> memref<1x128xi32, #tpu.memory_space<vmem>>
      %dma_start3A_280 = tpu.memref_squeeze %dma_start3A_279 : memref<1x128xi32, #tpu.memory_space<vmem>> -> memref<128xi32, #tpu.memory_space<vmem>>
      %dma_start3A_281 = arith.constant 0 : i32
      %dma_start3A_282 = arith.constant 0 : i32
      %dma_start3A_283 = tpu.memref_slice %arg10[%dma_start3A_281, %dma_start3A_282] : memref<51200x16xf32, #tpu.memory_space<vmem_shared>> -> memref<51200x16xf32, #tpu.memory_space<vmem_shared>>
      tpu.enqueue_indirect_dma source(%dma_start3A_277 : memref<128x16xf32, #tpu.memory_space<vmem>>) target(%dma_start3A_283 : memref<51200x16xf32, #tpu.memory_space<vmem_shared>>) offsets(%dma_start3A_280 : memref<128xi32, #tpu.memory_space<vmem>>) semaphore(%arg12 : memref<!tpu.dma_semaphore, #tpu.memory_space<semaphore_mem>>) {add = true}
      %dma_start3A_284 = arith.constant 6 : i32
      %dma_start3A_285 = arith.constant 6 : i32
      %dma_start3A_286 = arith.constant 0 : i32
      %dma_start3A_287 = arith.constant 0 : i32
      %dma_start3A_288 = tpu.memref_slice %arg8[%dma_start3A_284, %dma_start3A_286, %dma_start3A_287] : memref<8x128x16xf32, #tpu.memory_space<vmem>> -> memref<1x128x16xf32, #tpu.memory_space<vmem>>
      %dma_start3A_289 = tpu.memref_squeeze %dma_start3A_288 : memref<1x128x16xf32, #tpu.memory_space<vmem>> -> memref<128x16xf32, #tpu.memory_space<vmem>>
      %dma_start3A_290 = arith.constant 0 : i32
      %dma_start3A_291 = tpu.memref_slice %arg7[%dma_start3A_285, %dma_start3A_290] : memref<8x128xi32, #tpu.memory_space<vmem>> -> memref<1x128xi32, #tpu.memory_space<vmem>>
      %dma_start3A_292 = tpu.memref_squeeze %dma_start3A_291 : memref<1x128xi32, #tpu.memory_space<vmem>> -> memref<128xi32, #tpu.memory_space<vmem>>
      %dma_start3A_293 = arith.constant 0 : i32
      %dma_start3A_294 = arith.constant 0 : i32
      %dma_start3A_295 = tpu.memref_slice %arg10[%dma_start3A_293, %dma_start3A_294] : memref<51200x16xf32, #tpu.memory_space<vmem_shared>> -> memref<51200x16xf32, #tpu.memory_space<vmem_shared>>
      tpu.enqueue_indirect_dma source(%dma_start3A_289 : memref<128x16xf32, #tpu.memory_space<vmem>>) target(%dma_start3A_295 : memref<51200x16xf32, #tpu.memory_space<vmem_shared>>) offsets(%dma_start3A_292 : memref<128xi32, #tpu.memory_space<vmem>>) semaphore(%arg12 : memref<!tpu.dma_semaphore, #tpu.memory_space<semaphore_mem>>) {add = true}
      %dma_start3A_296 = arith.constant 7 : i32
      %dma_start3A_297 = arith.constant 7 : i32
      %dma_start3A_298 = arith.constant 0 : i32
      %dma_start3A_299 = arith.constant 0 : i32
      %dma_start3A_300 = tpu.memref_slice %arg8[%dma_start3A_296, %dma_start3A_298, %dma_start3A_299] : memref<8x128x16xf32, #tpu.memory_space<vmem>> -> memref<1x128x16xf32, #tpu.memory_space<vmem>>
      %dma_start3A_301 = tpu.memref_squeeze %dma_start3A_300 : memref<1x128x16xf32, #tpu.memory_space<vmem>> -> memref<128x16xf32, #tpu.memory_space<vmem>>
      %dma_start3A_302 = arith.constant 0 : i32
      %dma_start3A_303 = tpu.memref_slice %arg7[%dma_start3A_297, %dma_start3A_302] : memref<8x128xi32, #tpu.memory_space<vmem>> -> memref<1x128xi32, #tpu.memory_space<vmem>>
      %dma_start3A_304 = tpu.memref_squeeze %dma_start3A_303 : memref<1x128xi32, #tpu.memory_space<vmem>> -> memref<128xi32, #tpu.memory_space<vmem>>
      %dma_start3A_305 = arith.constant 0 : i32
      %dma_start3A_306 = arith.constant 0 : i32
      %dma_start3A_307 = tpu.memref_slice %arg10[%dma_start3A_305, %dma_start3A_306] : memref<51200x16xf32, #tpu.memory_space<vmem_shared>> -> memref<51200x16xf32, #tpu.memory_space<vmem_shared>>
      tpu.enqueue_indirect_dma source(%dma_start3A_301 : memref<128x16xf32, #tpu.memory_space<vmem>>) target(%dma_start3A_307 : memref<51200x16xf32, #tpu.memory_space<vmem_shared>>) offsets(%dma_start3A_304 : memref<128xi32, #tpu.memory_space<vmem>>) semaphore(%arg12 : memref<!tpu.dma_semaphore, #tpu.memory_space<semaphore_mem>>) {add = true}
      %dma_wait3A_308 = arith.constant 0 : i32
      %dma_wait3A_309 = arith.constant 0 : i32
      %dma_wait3A_310 = arith.constant 0 : i32
      %dma_wait3A_311 = arith.constant 0 : i32
      %dma_wait3A_312 = tpu.memref_slice %arg8[%dma_wait3A_308, %dma_wait3A_310, %dma_wait3A_311] : memref<8x128x16xf32, #tpu.memory_space<vmem>> -> memref<1x128x16xf32, #tpu.memory_space<vmem>>
      %dma_wait3A_313 = tpu.memref_squeeze %dma_wait3A_312 : memref<1x128x16xf32, #tpu.memory_space<vmem>> -> memref<128x16xf32, #tpu.memory_space<vmem>>
      %dma_wait3A_314 = arith.constant 0 : i32
      %dma_wait3A_315 = tpu.memref_slice %arg7[%dma_wait3A_309, %dma_wait3A_314] : memref<8x128xi32, #tpu.memory_space<vmem>> -> memref<1x128xi32, #tpu.memory_space<vmem>>
      %dma_wait3A_316 = tpu.memref_squeeze %dma_wait3A_315 : memref<1x128xi32, #tpu.memory_space<vmem>> -> memref<128xi32, #tpu.memory_space<vmem>>
      %dma_wait3A_317 = arith.constant 0 : i32
      %dma_wait3A_318 = arith.constant 0 : i32
      %dma_wait3A_319 = tpu.memref_slice %arg10[%dma_wait3A_317, %dma_wait3A_318] : memref<51200x16xf32, #tpu.memory_space<vmem_shared>> -> memref<51200x16xf32, #tpu.memory_space<vmem_shared>>
      tpu.wait_indirect_dma semaphore(%arg12 : memref<!tpu.dma_semaphore, #tpu.memory_space<semaphore_mem>>) src(%dma_wait3A_313 : memref<128x16xf32, #tpu.memory_space<vmem>>) dst(%dma_wait3A_319 : memref<51200x16xf32, #tpu.memory_space<vmem_shared>>)
      %dma_wait3A_320 = arith.constant 1 : i32
      %dma_wait3A_321 = arith.constant 1 : i32
      %dma_wait3A_322 = arith.constant 0 : i32
      %dma_wait3A_323 = arith.constant 0 : i32
      %dma_wait3A_324 = tpu.memref_slice %arg8[%dma_wait3A_320, %dma_wait3A_322, %dma_wait3A_323] : memref<8x128x16xf32, #tpu.memory_space<vmem>> -> memref<1x128x16xf32, #tpu.memory_space<vmem>>
      %dma_wait3A_325 = tpu.memref_squeeze %dma_wait3A_324 : memref<1x128x16xf32, #tpu.memory_space<vmem>> -> memref<128x16xf32, #tpu.memory_space<vmem>>
      %dma_wait3A_326 = arith.constant 0 : i32
      %dma_wait3A_327 = tpu.memref_slice %arg7[%dma_wait3A_321, %dma_wait3A_326] : memref<8x128xi32, #tpu.memory_space<vmem>> -> memref<1x128xi32, #tpu.memory_space<vmem>>
      %dma_wait3A_328 = tpu.memref_squeeze %dma_wait3A_327 : memref<1x128xi32, #tpu.memory_space<vmem>> -> memref<128xi32, #tpu.memory_space<vmem>>
      %dma_wait3A_329 = arith.constant 0 : i32
      %dma_wait3A_330 = arith.constant 0 : i32
      %dma_wait3A_331 = tpu.memref_slice %arg10[%dma_wait3A_329, %dma_wait3A_330] : memref<51200x16xf32, #tpu.memory_space<vmem_shared>> -> memref<51200x16xf32, #tpu.memory_space<vmem_shared>>
      tpu.wait_indirect_dma semaphore(%arg12 : memref<!tpu.dma_semaphore, #tpu.memory_space<semaphore_mem>>) src(%dma_wait3A_325 : memref<128x16xf32, #tpu.memory_space<vmem>>) dst(%dma_wait3A_331 : memref<51200x16xf32, #tpu.memory_space<vmem_shared>>)
      %dma_wait3A_332 = arith.constant 2 : i32
      %dma_wait3A_333 = arith.constant 2 : i32
      %dma_wait3A_334 = arith.constant 0 : i32
      %dma_wait3A_335 = arith.constant 0 : i32
      %dma_wait3A_336 = tpu.memref_slice %arg8[%dma_wait3A_332, %dma_wait3A_334, %dma_wait3A_335] : memref<8x128x16xf32, #tpu.memory_space<vmem>> -> memref<1x128x16xf32, #tpu.memory_space<vmem>>
      %dma_wait3A_337 = tpu.memref_squeeze %dma_wait3A_336 : memref<1x128x16xf32, #tpu.memory_space<vmem>> -> memref<128x16xf32, #tpu.memory_space<vmem>>
      %dma_wait3A_338 = arith.constant 0 : i32
      %dma_wait3A_339 = tpu.memref_slice %arg7[%dma_wait3A_333, %dma_wait3A_338] : memref<8x128xi32, #tpu.memory_space<vmem>> -> memref<1x128xi32, #tpu.memory_space<vmem>>
      %dma_wait3A_340 = tpu.memref_squeeze %dma_wait3A_339 : memref<1x128xi32, #tpu.memory_space<vmem>> -> memref<128xi32, #tpu.memory_space<vmem>>
      %dma_wait3A_341 = arith.constant 0 : i32
      %dma_wait3A_342 = arith.constant 0 : i32
      %dma_wait3A_343 = tpu.memref_slice %arg10[%dma_wait3A_341, %dma_wait3A_342] : memref<51200x16xf32, #tpu.memory_space<vmem_shared>> -> memref<51200x16xf32, #tpu.memory_space<vmem_shared>>
      tpu.wait_indirect_dma semaphore(%arg12 : memref<!tpu.dma_semaphore, #tpu.memory_space<semaphore_mem>>) src(%dma_wait3A_337 : memref<128x16xf32, #tpu.memory_space<vmem>>) dst(%dma_wait3A_343 : memref<51200x16xf32, #tpu.memory_space<vmem_shared>>)
      %dma_wait3A_344 = arith.constant 3 : i32
      %dma_wait3A_345 = arith.constant 3 : i32
      %dma_wait3A_346 = arith.constant 0 : i32
      %dma_wait3A_347 = arith.constant 0 : i32
      %dma_wait3A_348 = tpu.memref_slice %arg8[%dma_wait3A_344, %dma_wait3A_346, %dma_wait3A_347] : memref<8x128x16xf32, #tpu.memory_space<vmem>> -> memref<1x128x16xf32, #tpu.memory_space<vmem>>
      %dma_wait3A_349 = tpu.memref_squeeze %dma_wait3A_348 : memref<1x128x16xf32, #tpu.memory_space<vmem>> -> memref<128x16xf32, #tpu.memory_space<vmem>>
      %dma_wait3A_350 = arith.constant 0 : i32
      %dma_wait3A_351 = tpu.memref_slice %arg7[%dma_wait3A_345, %dma_wait3A_350] : memref<8x128xi32, #tpu.memory_space<vmem>> -> memref<1x128xi32, #tpu.memory_space<vmem>>
      %dma_wait3A_352 = tpu.memref_squeeze %dma_wait3A_351 : memref<1x128xi32, #tpu.memory_space<vmem>> -> memref<128xi32, #tpu.memory_space<vmem>>
      %dma_wait3A_353 = arith.constant 0 : i32
      %dma_wait3A_354 = arith.constant 0 : i32
      %dma_wait3A_355 = tpu.memref_slice %arg10[%dma_wait3A_353, %dma_wait3A_354] : memref<51200x16xf32, #tpu.memory_space<vmem_shared>> -> memref<51200x16xf32, #tpu.memory_space<vmem_shared>>
      tpu.wait_indirect_dma semaphore(%arg12 : memref<!tpu.dma_semaphore, #tpu.memory_space<semaphore_mem>>) src(%dma_wait3A_349 : memref<128x16xf32, #tpu.memory_space<vmem>>) dst(%dma_wait3A_355 : memref<51200x16xf32, #tpu.memory_space<vmem_shared>>)
      %dma_wait3A_356 = arith.constant 4 : i32
      %dma_wait3A_357 = arith.constant 4 : i32
      %dma_wait3A_358 = arith.constant 0 : i32
      %dma_wait3A_359 = arith.constant 0 : i32
      %dma_wait3A_360 = tpu.memref_slice %arg8[%dma_wait3A_356, %dma_wait3A_358, %dma_wait3A_359] : memref<8x128x16xf32, #tpu.memory_space<vmem>> -> memref<1x128x16xf32, #tpu.memory_space<vmem>>
      %dma_wait3A_361 = tpu.memref_squeeze %dma_wait3A_360 : memref<1x128x16xf32, #tpu.memory_space<vmem>> -> memref<128x16xf32, #tpu.memory_space<vmem>>
      %dma_wait3A_362 = arith.constant 0 : i32
      %dma_wait3A_363 = tpu.memref_slice %arg7[%dma_wait3A_357, %dma_wait3A_362] : memref<8x128xi32, #tpu.memory_space<vmem>> -> memref<1x128xi32, #tpu.memory_space<vmem>>
      %dma_wait3A_364 = tpu.memref_squeeze %dma_wait3A_363 : memref<1x128xi32, #tpu.memory_space<vmem>> -> memref<128xi32, #tpu.memory_space<vmem>>
      %dma_wait3A_365 = arith.constant 0 : i32
      %dma_wait3A_366 = arith.constant 0 : i32
      %dma_wait3A_367 = tpu.memref_slice %arg10[%dma_wait3A_365, %dma_wait3A_366] : memref<51200x16xf32, #tpu.memory_space<vmem_shared>> -> memref<51200x16xf32, #tpu.memory_space<vmem_shared>>
      tpu.wait_indirect_dma semaphore(%arg12 : memref<!tpu.dma_semaphore, #tpu.memory_space<semaphore_mem>>) src(%dma_wait3A_361 : memref<128x16xf32, #tpu.memory_space<vmem>>) dst(%dma_wait3A_367 : memref<51200x16xf32, #tpu.memory_space<vmem_shared>>)
      %dma_wait3A_368 = arith.constant 5 : i32
      %dma_wait3A_369 = arith.constant 5 : i32
      %dma_wait3A_370 = arith.constant 0 : i32
      %dma_wait3A_371 = arith.constant 0 : i32
      %dma_wait3A_372 = tpu.memref_slice %arg8[%dma_wait3A_368, %dma_wait3A_370, %dma_wait3A_371] : memref<8x128x16xf32, #tpu.memory_space<vmem>> -> memref<1x128x16xf32, #tpu.memory_space<vmem>>
      %dma_wait3A_373 = tpu.memref_squeeze %dma_wait3A_372 : memref<1x128x16xf32, #tpu.memory_space<vmem>> -> memref<128x16xf32, #tpu.memory_space<vmem>>
      %dma_wait3A_374 = arith.constant 0 : i32
      %dma_wait3A_375 = tpu.memref_slice %arg7[%dma_wait3A_369, %dma_wait3A_374] : memref<8x128xi32, #tpu.memory_space<vmem>> -> memref<1x128xi32, #tpu.memory_space<vmem>>
      %dma_wait3A_376 = tpu.memref_squeeze %dma_wait3A_375 : memref<1x128xi32, #tpu.memory_space<vmem>> -> memref<128xi32, #tpu.memory_space<vmem>>
      %dma_wait3A_377 = arith.constant 0 : i32
      %dma_wait3A_378 = arith.constant 0 : i32
      %dma_wait3A_379 = tpu.memref_slice %arg10[%dma_wait3A_377, %dma_wait3A_378] : memref<51200x16xf32, #tpu.memory_space<vmem_shared>> -> memref<51200x16xf32, #tpu.memory_space<vmem_shared>>
      tpu.wait_indirect_dma semaphore(%arg12 : memref<!tpu.dma_semaphore, #tpu.memory_space<semaphore_mem>>) src(%dma_wait3A_373 : memref<128x16xf32, #tpu.memory_space<vmem>>) dst(%dma_wait3A_379 : memref<51200x16xf32, #tpu.memory_space<vmem_shared>>)
      %dma_wait3A_380 = arith.constant 6 : i32
      %dma_wait3A_381 = arith.constant 6 : i32
      %dma_wait3A_382 = arith.constant 0 : i32
      %dma_wait3A_383 = arith.constant 0 : i32
      %dma_wait3A_384 = tpu.memref_slice %arg8[%dma_wait3A_380, %dma_wait3A_382, %dma_wait3A_383] : memref<8x128x16xf32, #tpu.memory_space<vmem>> -> memref<1x128x16xf32, #tpu.memory_space<vmem>>
      %dma_wait3A_385 = tpu.memref_squeeze %dma_wait3A_384 : memref<1x128x16xf32, #tpu.memory_space<vmem>> -> memref<128x16xf32, #tpu.memory_space<vmem>>
      %dma_wait3A_386 = arith.constant 0 : i32
      %dma_wait3A_387 = tpu.memref_slice %arg7[%dma_wait3A_381, %dma_wait3A_386] : memref<8x128xi32, #tpu.memory_space<vmem>> -> memref<1x128xi32, #tpu.memory_space<vmem>>
      %dma_wait3A_388 = tpu.memref_squeeze %dma_wait3A_387 : memref<1x128xi32, #tpu.memory_space<vmem>> -> memref<128xi32, #tpu.memory_space<vmem>>
      %dma_wait3A_389 = arith.constant 0 : i32
      %dma_wait3A_390 = arith.constant 0 : i32
      %dma_wait3A_391 = tpu.memref_slice %arg10[%dma_wait3A_389, %dma_wait3A_390] : memref<51200x16xf32, #tpu.memory_space<vmem_shared>> -> memref<51200x16xf32, #tpu.memory_space<vmem_shared>>
      tpu.wait_indirect_dma semaphore(%arg12 : memref<!tpu.dma_semaphore, #tpu.memory_space<semaphore_mem>>) src(%dma_wait3A_385 : memref<128x16xf32, #tpu.memory_space<vmem>>) dst(%dma_wait3A_391 : memref<51200x16xf32, #tpu.memory_space<vmem_shared>>)
      %dma_wait3A_392 = arith.constant 7 : i32
      %dma_wait3A_393 = arith.constant 7 : i32
      %dma_wait3A_394 = arith.constant 0 : i32
      %dma_wait3A_395 = arith.constant 0 : i32
      %dma_wait3A_396 = tpu.memref_slice %arg8[%dma_wait3A_392, %dma_wait3A_394, %dma_wait3A_395] : memref<8x128x16xf32, #tpu.memory_space<vmem>> -> memref<1x128x16xf32, #tpu.memory_space<vmem>>
      %dma_wait3A_397 = tpu.memref_squeeze %dma_wait3A_396 : memref<1x128x16xf32, #tpu.memory_space<vmem>> -> memref<128x16xf32, #tpu.memory_space<vmem>>
      %dma_wait3A_398 = arith.constant 0 : i32
      %dma_wait3A_399 = tpu.memref_slice %arg7[%dma_wait3A_393, %dma_wait3A_398] : memref<8x128xi32, #tpu.memory_space<vmem>> -> memref<1x128xi32, #tpu.memory_space<vmem>>
      %dma_wait3A_400 = tpu.memref_squeeze %dma_wait3A_399 : memref<1x128xi32, #tpu.memory_space<vmem>> -> memref<128xi32, #tpu.memory_space<vmem>>
      %dma_wait3A_401 = arith.constant 0 : i32
      %dma_wait3A_402 = arith.constant 0 : i32
      %dma_wait3A_403 = tpu.memref_slice %arg10[%dma_wait3A_401, %dma_wait3A_402] : memref<51200x16xf32, #tpu.memory_space<vmem_shared>> -> memref<51200x16xf32, #tpu.memory_space<vmem_shared>>
      tpu.wait_indirect_dma semaphore(%arg12 : memref<!tpu.dma_semaphore, #tpu.memory_space<semaphore_mem>>) src(%dma_wait3A_397 : memref<128x16xf32, #tpu.memory_space<vmem>>) dst(%dma_wait3A_403 : memref<51200x16xf32, #tpu.memory_space<vmem_shared>>)
    }
    %scan3A_14 = arith.constant 49 : i32
    %barrier3A_15 = arith.constant 0 : index
    tpu.barrier barrier_id(%barrier3A_15)
    "tpu.region"() ({
      %run_scoped3A = tpu.sem_alloc : memref<!tpu.dma_semaphore, #tpu.memory_space<semaphore_mem>>
      %dma_start3A = arith.constant 0 : i32
      %dma_start3A_16 = tpu.memref_slice %arg10[%mul3A_2, %dma_start3A] : memref<51200x16xf32, #tpu.memory_space<vmem_shared>> -> memref<3200x16xf32, #tpu.memory_space<vmem_shared>>
      %dma_start3A_17 = arith.constant 0 : i32
      %dma_start3A_18 = tpu.memref_slice %arg10[%mul3A_2, %dma_start3A_17] : memref<51200x16xf32, #tpu.memory_space<vmem_shared>> -> memref<3200x16xf32, #tpu.memory_space<vmem_shared>>
      tpu.enqueue_dma source(%dma_start3A_18 : memref<3200x16xf32, #tpu.memory_space<vmem_shared>>) target(%arg9 : memref<3200x16xf32, #tpu.memory_space<vmem>>) target_semaphore(%run_scoped3A : memref<!tpu.dma_semaphore, #tpu.memory_space<semaphore_mem>>)
      %dma_wait3A = arith.constant 0 : i32
      %dma_wait3A_19 = tpu.memref_slice %arg10[%mul3A_2, %dma_wait3A] : memref<51200x16xf32, #tpu.memory_space<vmem_shared>> -> memref<3200x16xf32, #tpu.memory_space<vmem_shared>>
      %dma_wait3A_20 = arith.constant 0 : i32
      %dma_wait3A_21 = tpu.memref_slice %arg10[%mul3A_2, %dma_wait3A_20] : memref<51200x16xf32, #tpu.memory_space<vmem_shared>> -> memref<3200x16xf32, #tpu.memory_space<vmem_shared>>
      tpu.wait_dma2 semaphore(%run_scoped3A : memref<!tpu.dma_semaphore, #tpu.memory_space<semaphore_mem>>) src(%dma_wait3A_21 : memref<3200x16xf32, #tpu.memory_space<vmem_shared>>) dst(%arg9 : memref<3200x16xf32, #tpu.memory_space<vmem>>)
      tpu.yield
    }) : () -> ()
    "tpu.region"() ({
      %run_scoped3A = tpu.sem_alloc : memref<!tpu.dma_semaphore, #tpu.memory_space<semaphore_mem>>
      %dma_start3A = arith.constant 0 : i32
      %dma_start3A_16 = tpu.memref_slice %arg5[%arg0, %mul3A_2, %dma_start3A] : memref<2x51200x16xf32, #tpu.memory_space<hbm>> -> memref<1x3200x16xf32, #tpu.memory_space<hbm>>
      %dma_start3A_17 = tpu.memref_squeeze %dma_start3A_16 : memref<1x3200x16xf32, #tpu.memory_space<hbm>> -> memref<3200x16xf32, #tpu.memory_space<hbm>>
      %dma_start3A_18 = arith.constant 0 : i32
      %dma_start3A_19 = tpu.memref_slice %arg5[%arg0, %mul3A_2, %dma_start3A_18] : memref<2x51200x16xf32, #tpu.memory_space<hbm>> -> memref<1x3200x16xf32, #tpu.memory_space<hbm>>
      %dma_start3A_20 = tpu.memref_squeeze %dma_start3A_19 : memref<1x3200x16xf32, #tpu.memory_space<hbm>> -> memref<3200x16xf32, #tpu.memory_space<hbm>>
      tpu.enqueue_dma source(%arg9 : memref<3200x16xf32, #tpu.memory_space<vmem>>) target(%dma_start3A_20 : memref<3200x16xf32, #tpu.memory_space<hbm>>) target_semaphore(%run_scoped3A : memref<!tpu.dma_semaphore, #tpu.memory_space<semaphore_mem>>)
      %dma_wait3A = arith.constant 0 : i32
      %dma_wait3A_21 = tpu.memref_slice %arg5[%arg0, %mul3A_2, %dma_wait3A] : memref<2x51200x16xf32, #tpu.memory_space<hbm>> -> memref<1x3200x16xf32, #tpu.memory_space<hbm>>
      %dma_wait3A_22 = tpu.memref_squeeze %dma_wait3A_21 : memref<1x3200x16xf32, #tpu.memory_space<hbm>> -> memref<3200x16xf32, #tpu.memory_space<hbm>>
      %dma_wait3A_23 = arith.constant 0 : i32
      %dma_wait3A_24 = tpu.memref_slice %arg5[%arg0, %mul3A_2, %dma_wait3A_23] : memref<2x51200x16xf32, #tpu.memory_space<hbm>> -> memref<1x3200x16xf32, #tpu.memory_space<hbm>>
      %dma_wait3A_25 = tpu.memref_squeeze %dma_wait3A_24 : memref<1x3200x16xf32, #tpu.memory_space<hbm>> -> memref<3200x16xf32, #tpu.memory_space<hbm>>
      tpu.wait_dma2 semaphore(%run_scoped3A : memref<!tpu.dma_semaphore, #tpu.memory_space<semaphore_mem>>) src(%arg9 : memref<3200x16xf32, #tpu.memory_space<vmem>>) dst(%dma_wait3A_25 : memref<3200x16xf32, #tpu.memory_space<hbm>>)
      tpu.yield
    }) : () -> ()
    return
  }
}

</mosaic_0001>

<sc_bundles>
// kernel: kernel.3.cloned.1.call-start
scs
__scs_entry_jumppad:
0x0: {  	(pc) =	sbr.rel $0x88, $3  }
0x1: {  	(tag) =	ssettag $0x0;
	lr =	simm.s32 $0x1  }
0x2: {  	[smem:$0x3F9E] =	sst lr;
	_ =	strace $0xD0000000  }
0x3: {  	_ = 	snop  }
0x4: {  	_ = 	snop  }
0x5: {  	_ = 	snop  }
0x6: {  	_ = 	snop  }
0x7: {  	_ = 	snop  }
__scs_overlays_trampoline_lowered:
0x8: {  	[smem:$0x3FAD] =	sst s0  }
0x9: {  	[smem:$0x3FAE] =	sst s1  }
0xa: {  	[smem:$0x3FAF] =	sst s2  }
0xb: {  	[smem:$0x3FB0] =	sst s3  }
0xc: {  	[smem:$0x3FB1] =	sst s4  }
0xd: {  	[smem:$0x3FB2] =	sst s5  }
0xe: {  	[smem:$0x3FB3] =	sst s6  }
0xf: {  	[smem:$0x3FB4] =	sst s7  }
0x10: {  	[smem:$0x3FB5] =	sst s8  }
0x11: {  	[smem:$0x3FB6] =	sst s9;
	s0 =	simm.s32 @!p0 $0x0  }
0x12: {  	s1 =	sld [smem:$0x3F9C];
	s0 =	simm.s32 @p0 $0x1  }
0x13: {  	[smem:$0x3FB7] =	sst s0;
	s0 =	simm.s32 @!p1 $0x0  }
0x14: {  	s2 =	sld [smem:$0x3F9B];
	s0 =	simm.s32 @p1 $0x1  }
0x15: {  	[smem:$0x3FB8] =	sst s0;
	s0 =	simm.s32 @!p2 $0x0  }
0x16: {  	s3 =	sld [smem:$0x3FDB];
	s0 =	simm.s32 @p2 $0x1  }
0x17: {  	s4 =	simm.s32 $0x1BF5;
	[smem:$0x3FBA] =	sst s0  }
0x18: {  	s0 =	sld [smem:$0x3F9D];
	_ =	swait.ge [sflag:s4], $0x0  }
0x19: {  	s7 =	sld [smem:$0x3F9E]  }
0x1a: {  	s8 =	sadd.s32 $0xFFFFE003, lr  }
0x1b: {  	s9 =	sadd.s32 $0xFFFFFEF7, lr;
	s5 =	simm.s32 $0xFFFFFFFF;
	p2 =	slt.u32 s8, $0xFFFFF086  }
0x1c: {  	p1 =	slt.u32 s9, $0xF7A;
	s5 =	simm.s32 @!p2 $0x0  }
0x1d: {  	s5 =	simm.s32 @p1 $0x1;
	p0 =	seq.s32 s7, s2  }
0x1e: {  	s7 =	smul.u32 @!p0 $0xF7A, s2;
	p2 =	seq.s32 @!p0 s5, $0x0  }
0x1f: {  	s9 =	smul.u32 $0xF7A, s1;
	s8 =	simm.s32 @!p0 $0x1BF5;
	p2 =	por !p2, p0  }
0x20: {  	[sflag:s8] =	ssyncset.s32 @!p0 $0xFFFFF086;
	s6 =	sadd.s32 @!p0 s3, s7;
	s7 =	simm.s32 @!p0 $0x108  }
0x21: {  	s3 =	sadd.s32 s3, s9;
	s6 =	sadd.s32 @!p0 $0x88, s6;
	s7 =	simm.s32 @p2 $0x1082  }
0x22: {  	[simem:s7], [sflag:s8] =	dma.local @!p0 [hbm:s6], $0xF7A  }
0x23: {  	s9 =	sor.u32 $0xD0000000, s2;
	s6 =	simm.s32 $0x108;
	_ =	swait.ge @!p0 [sflag:s8], $0x0  }
0x24: {  	s3 =	sadd.s32 $0x88, s3;
	s6 =	simm.s32 @!p1 $0x1082;
	[sflag:s4] =	ssyncset.s32 $0xFFFFF086  }
0x25: {  	[simem:s6], [sflag:s4] =	dma.local [hbm:s3], $0xF7A  }
0x26: {  	[smem:$0x3F9E] =	sst s1;
	(tag) =	ssettag s2;
	_ =	strace s9  }
0x27: {  	s1 =	sld [smem:$0x3FAE]  }
0x28: {  	s2 =	sld [smem:$0x3FAF]  }
0x29: {  	s4 =	sld [smem:$0x3FB1]  }
0x2a: {  	p0 =	seq.s32 s5, $0x0;
	s5 =	sld [smem:$0x3FB2]  }
0x2b: {  	s6 =	sld [smem:$0x3FB3]  }
0x2c: {  	s7 =	sld [smem:$0x3FB4]  }
0x2d: {  	s3 =	simm.s32 $0x108;
	s8 =	sld [smem:$0x3FB5]  }
0x2e: {  	s3 =	simm.s32 @!p0 $0x1082;
	s9 =	sld [smem:$0x3FB6]  }
0x2f: {  	lr =	sadd.s32 s0, s3;
	s0 =	sld [smem:$0x3FAD]  }
0x30: {  	s3 =	sld [smem:$0x3FB0]  }
0x31: {  	[smem:$0x3FB9] =	sst s10  }
0x32: {  	s10 =	sld [smem:$0x3FB7];
	_ =	sdelay $0x3  }
0x33: {  	p0 =	seq.s32 s10, $0x1;
	s10 =	sld [smem:$0x3FB9];
	_ =	sdelay $0x3  }
0x34: {  	[smem:$0x3FB9] =	sst s10  }
0x35: {  	s10 =	sld [smem:$0x3FB8];
	_ =	sdelay $0x3  }
0x36: {  	p1 =	seq.s32 s10, $0x1;
	s10 =	sld [smem:$0x3FB9];
	_ =	sdelay $0x3  }
0x37: {  	[smem:$0x3FB9] =	sst s10  }
0x38: {  	s10 =	sld [smem:$0x3FBA]  }
0x39: {  	_ = 	snop;
	(pc) =	sbr.ind lr, $3  }
0x3a: {  	_ = 	snop  }
0x3b: {  	_ = 	snop  }
0x3c: {  	p2 =	seq.s32 s10, $0x1;
	s10 =	sld [smem:$0x3FB9]  }
0x3d: {  	_ =	shalt  }
0x3e: {  	_ =	shalt  }
0x3f: {  	_ =	shalt  }
0x40: {  	_ =	shalt  }
0x41: {  	_ =	shalt  }
0x42: {  	_ =	shalt  }
0x43: {  	_ =	shalt  }
0x44: {  	_ =	shalt  }
0x45: {  	_ =	shalt  }
0x46: {  	_ =	shalt  }
0x47: {  	_ =	shalt  }
0x48: {  	_ =	shalt  }
0x49: {  	_ =	shalt  }
0x4a: {  	_ =	shalt  }
0x4b: {  	_ =	shalt  }
0x4c: {  	_ =	shalt  }
0x4d: {  	_ =	shalt  }
0x4e: {  	_ =	shalt  }
0x4f: {  	_ =	shalt  }
0x50: {  	_ =	shalt  }
0x51: {  	_ =	shalt  }
0x52: {  	_ =	shalt  }
0x53: {  	_ =	shalt  }
0x54: {  	_ =	shalt  }
0x55: {  	_ =	shalt  }
0x56: {  	_ =	shalt  }
0x57: {  	_ =	shalt  }
0x58: {  	_ =	shalt  }
0x59: {  	_ =	shalt  }
0x5a: {  	_ =	shalt  }
0x5b: {  	_ =	shalt  }
0x5c: {  	_ =	shalt  }
0x5d: {  	_ =	shalt  }
0x5e: {  	_ =	shalt  }
0x5f: {  	_ =	shalt  }
0x60: {  	_ =	shalt  }
0x61: {  	_ =	shalt  }
0x62: {  	_ =	shalt  }
0x63: {  	_ =	shalt  }
0x64: {  	_ =	shalt  }
0x65: {  	_ =	shalt  }
0x66: {  	_ =	shalt  }
0x67: {  	_ =	shalt  }
0x68: {  	_ =	shalt  }
0x69: {  	_ =	shalt  }
0x6a: {  	_ =	shalt  }
0x6b: {  	_ =	shalt  }
0x6c: {  	_ =	shalt  }
0x6d: {  	_ =	shalt  }
0x6e: {  	_ =	shalt  }
0x6f: {  	_ =	shalt  }
0x70: {  	_ =	shalt  }
0x71: {  	_ =	shalt  }
0x72: {  	_ =	shalt  }
0x73: {  	_ =	shalt  }
0x74: {  	_ =	shalt  }
0x75: {  	_ =	shalt  }
0x76: {  	_ =	shalt  }
0x77: {  	_ =	shalt  }
0x78: {  	_ =	shalt  }
0x79: {  	_ =	shalt  }
0x7a: {  	_ =	shalt  }
0x7b: {  	_ =	shalt  }
0x7c: {  	_ =	shalt  }
0x7d: {  	_ =	shalt  }
0x7e: {  	_ =	shalt  }
0x7f: {  	_ =	shalt  }
0x80: {  	_ =	shalt  }
0x81: {  	_ =	shalt  }
0x82: {  	_ =	shalt  }
0x83: {  	_ =	shalt  }
0x84: {  	_ =	shalt  }
0x85: {  	_ =	shalt  }
0x86: {  	_ =	shalt  }
0x87: {  	_ =	shalt  }
.Lfunc_end0:
.L_simem_size_0:
called_computation_lowered:
.L_overlay_start_0:
0x88: {  	s2 =	sld [smem:$0x3FD9]  }
0x89: {  	s3 =	sld [smem:$0x3FFE];
	_ =	sdelay $0x1  }
0x8a: {  	s1 =	srdreg.scid  }
0x8b: {  	s0 =	sand.u32 $0x1, s1  }
0x8c: {  	s16 =	sshll.u32 s0, $0xA;
	s2 =	sadd.s32 s3, s2  }
0x8d: {  	s2 =	sadd.s32 s2, s16  }
0x8e: {  	[smem:$0x3FC5] =	sst s2  }
0x8f: {  	_ = 	snop  }
0x90: {  	(tm) =	ssettm $0x1  }
0x91: {  	s17 =	sld [smem:$0x3FFB];
	_ =	sdelay $0x3  }
0x92: {  	_ =	strace s17  }
0x93: {  	s2 =	sld [smem:$0x3FFC];
	_ =	sdelay $0x3  }
0x94: {  	_ =	strace s2  }
0x95: {  	s2 =	sld [smem:$0x3FFD];
	_ =	sdelay $0x3  }
0x96: {  	_ =	strace s2  }
0x97: {  	_ =	strace $0x8FFFFFFF  }
0x98: {  	s18 =	sld [smem:$0x3FDB];
	_ =	sdelay $0x1  }
0x99: {  	s19 =	simm.s32 $_scs_section_size  }
0x9a: {  	s4 =	simm.s32 $_size__tile_overlayer_lowered;
	s5 =	simm.s32 $_tile_overlayer_lowered  }
0x9b: {  	s22 =	simm.s32 $0x1BFF;
	s21 =	sshll.u32 s5, $0x1;
	s2 =	sadd.s32 s19, s18  }
0x9c: {  	s6 =	simm.s32 $0x0;
	s20 =	sshll.u32 s4, $0x1;
	s4 =	sadd.s32 s21, s2  }
0x9d: {  	[timem:s6], [sflag:s22] =	dma.local [hbm:s4], s20  }
0x9e: {  	_ =	swait.ge [sflag:s22], s20  }
0x9f: {  	s3 =	ssub.s32 $0x0, s20;
	[sflag:s22] =	ssyncset.done $0x0  }
0xa0: {  	[sflag:s22] =	ssyncadd.s32 s3;
	_ =	sdelay $0x1  }
0xa1: {  	s23 =	simm.s32 $0x1B8B  }
0xa2: {  	_ =	swait.ge [sflag:s23], $0x1  }
0xa3: {  	[sflag:s23] =	ssyncset.done $0x0  }
0xa4: {  	s25 =	simm.s32 $0x1B8E;
	s24 =	sld [smem:$0x3FFE];
	[sflag:s23] =	ssyncadd.s32 $0xFFFFFFFF  }
0xa5: {  	s26 =	simm.s32 $execute0_lowered;
	[smem:$0x3FD2] =	sst s25  }
0xa6: {  	s4 =	sshll.u32 s26, $0x1;
	_ =	strace $0x80000046;
	[dreg:$0x1] =	wrdreg $0xFFFFFFFF  }
0xa7: {  	s28 =	simm.s32 $_size_execute0_lowered;
	s2 =	sadd.s32 s2, s4;
	[dreg:$0x0] =	wrdreg $0x0  }
0xa8: {  	s4 =	sshll.u32 s28, $0x1;
	[dreg:$0x2] =	wrdreg s2  }
0xa9: {  	[dreg:$0x3] =	wrdreg s4  }
0xaa: {  	[dreg:$0x4] =	wrdreg $0xC0  }
0xab: {  	_ =	task [dreg:s6], $0x5FFFF  }
0xac: {  	[dreg:$0x1] =	wrdreg $0xFFFFFFFF  }
0xad: {  	[dreg:$0x0] =	wrdreg $0x60  }
0xae: {  	[dreg:$0x2] =	wrdreg s24  }
0xaf: {  	[dreg:$0x3] =	wrdreg $0x110000  }
0xb0: {  	[dreg:$0x4] =	wrdreg $0x9  }
0xb1: {  	_ =	task.clear_ibuf [dreg:s6], $0x5FFFF;
	_ =	strace $0x90000046  }
0xb2: {  	s29 =	simm.s32 $0x9;
	_ =	strace $0x80000048  }
0xb3: {  	_ =	swait.ge [sflag:s29], $0x1  }
0xb4: {  	[sflag:s29] =	ssyncadd.s32 $0xFFFFFFFF  }
0xb5: {  	_ =	strace $0x90000048  }
0xb6: {  	_ =	sfence  }
0xb7: {  	s30 =	sld [smem:$0x0];
	_ =	sdelay $0x2  }
0xb8: {  	s31 =	sshll.u32 s1, $0xD;
	s1 =	sshrl.u32 s1, $0x2  }
0xb9: {  	s3 =	sand.u32 $0x4000, s31;
	s1 =	sadd.s32 s1, s30  }
0xba: {  	s0 =	sor.u32 s3, s0;
	s1 =	sshll.u32 s1, $0x11  }
0xbb: {  	s0 =	sor.u32 s1, s0  }
0xbc: {  	s0 =	sadd.s32 $0x8F2B, s0  }
0xbd: {  	[sflag:s0] =	ssyncadd.remote.s32 $0x1  }
0xbe: {  	_ =	sfence.sel $0xFFFF  }
0xbf: {  	[dreg:$0x0] =	wrdreg $0xFFFFFFFF;
	(pc) =	sbr.abs _section_cstart, $3  }
0xc0: {  	[dreg:$0x1] =	wrdreg $0xFFFFFFFF  }
0xc1: {  	_ =	task.clear_ibuf [dreg:s6], $0x2FFFF;
	_ =	strace $0x9FFFFFFF  }
0xc2: {  	(tm) =	ssettm $0x7FFFFFFF  }
0xc3: {  	_ =	shalt  }
tec
execute0_lowered:
.L_overlay_start_1:
0x0: {  	(tag) =	ssettag $0x1  }
0x1: {  	s0 =	srdreg.scid;
	s2 =	rddreg [dreg:$0x0]  }
0x2: {  	s6 =	stileid.u32;
	s3 =	rddreg [dreg:$0x1]  }
0x3: {  	s4 =	simm.s32 $0x0;
	s8 =	simm.s32 $0x4800;
	s9 =	simm.s32 $0x3  }
0x4: {  	s10 =	simm.s32 $0x400;
	s11 =	simm.s32 $0x80;
	s12 =	simm.s32 $0x800  }
0x5: {  	s25 =	simm.s32 $0x100;
	s13 =	simm.s32 $0x1000;
	s26 =	simm.s32 $0x180  }
0x6: {  	s14 =	simm.s32 $0x1800;
	s15 =	simm.s32 $0x2000;
	s16 =	simm.s32 $0x200  }
0x7: {  	s17 =	simm.s32 $0x2800;
	s18 =	simm.s32 $0x280;
	s19 =	simm.s32 $0x3000  }
0x8: {  	s20 =	simm.s32 $0x300;
	s21 =	simm.s32 $0x3800;
	s5 =	smul.u32 $0xC400, s6  }
0x9: {  	s28 =	simm.s32 $0x580;
	s0 =	sand.u32 $0x1, s0;
	s6 =	smul.u32 $0xC800, s6  }
0xa: {  	s29 =	simm.s32 $0x600;
	s30 =	simm.s32 $0x680;
	s1 =	smul.u32 $0xC4000, s0  }
0xb: {  	s31 =	simm.s32 $0x700;
	[smem:$0x7FF] =	sst s4;
	s7 =	smul.u32 $0xC8000, s0  }
0xc: {  	_ =	strace $0x80000047;
	s0 =	ssub.s32 $0x2, s0;
	[dreg:$0x5] =	wrdreg s25  }
0xd: {  	[dreg:$0x6] =	wrdreg s26;
	s25 =	simm.s32 $0x480;
	s26 =	simm.s32 $0x500  }
0xe: {  	s23 =	sshrl.u32 s0, $0x1;
	s1 =	sadd.s32 s5, s1;
	s22 =	sadd.s32 s6, s7  }
0xf: {  	s0 =	ssub.s32 s0, s23;
	s6 =	sadd.s32 s6, s3;
	s23 =	simm.s32 $0x4000  }
0x10: {  	s7 =	simm.s32 $0x0;
	s1 =	sshrl.u32 s1, $0x3;
	s5 =	sshrl.u32 s22, $0x3  }
0x11: {  	s0 =	smax.u32 s0, $0x1;
	[dreg:$0x7] =	wrdreg s6;
	s1 =	sadd.s32 s1, s2  }
0x12: {  	s5 =	sadd.s32 s5, s2;
	[dreg:$0x9] =	wrdreg s0;
	s24 =	sadd.s32 $0x19000, s1  }
0x13: {  	s22 =	simm.s32 $0x380;
	s5 =	sadd.s32 $0x7B000, s5;
	[dreg:$0x3] =	wrdreg s24  }
0x14: {  	s0 =	simm.s32 $0x2;
	s1 =	sadd.s32 $0x4A000, s1;
	[dreg:$0x8] =	wrdreg s5  }
0x15: {  	v0 =	vimm.f32 $0.0e+00;
	[dreg:$0x4] =	wrdreg s1;
	s24 =	simm.s32 $0x1;
	s1 =	simm.s32 $0x780  }
.LBB2_1:
0x16: {  	[dreg:$0xa] =	wrdreg s7;
	s5 =	simm.s32 $0x40;
	s7 =	simm.s32 $0x0  }
.LBB2_2:
0x17: {  	p0 =	sne.s32 s5, $0x31FC0;
	[tilespmem:s7+$0x4800] =	vst v0;
	s7 =	smov.u32 s5;
	s5 =	sadd.s32 $0x40, s5  }
.Ltmp0:
0x18: {  	(pc) =	sbr.rel @p0 .LBB2_2-.Ltmp0, $2  }
0x19: {  	_ =	sdelay $0x2  }
0x1a: {  	s7 =	sshra.s32 s7, $0x2  }
0x1b: {  	[tilespmem:s7+$0x4800] =	vst v0  }
0x1c: {  	[spmem:s6] =	stream.linear.scatter [tilespmem:s8], [sflag:$0x3], $0xC800, $0x38;
	[tilespmem:$0x1D800] =	vst v63  }
0x1d: {  	_ =	swait.ge [sflag:s9], $0xC800  }
0x1e: {  	[sflag:s9] =	ssyncset.done $0x0  }
0x1f: {  	[sflag:s9] =	ssyncadd.s32 $0xFFFF3800  }
0x20: {  	[bflag:$0x0] =	sbarrier.arrive $0xFFFF  }
0x21: {  	s5 =	rddreg [dreg:$0x4]  }
0x22: {  	s5 =	sadd.s32 $0x0, s5  }
0x23: {  	[tilespmem:s4], [sflag:$0x3] =	stream.linear.gather [hbm4b:s5+s4], $0x400, $0x38;
	[tilespmem:$0x1D800] =	vst v63  }
0x24: {  	_ =	swait.ge [sflag:s9], $0x400  }
0x25: {  	s6 =	rddreg [dreg:$0x3];
	[sflag:s9] =	ssyncset.done $0x0  }
0x26: {  	[sflag:s9] =	ssyncadd.s32 $0xFFFFFC00;
	s5 =	sadd.s32 $0x0, s6  }
0x27: {  	[tilespmem:s10], [sflag:$0x3] =	stream.linear.gather [hbm4b:s5+s4], $0x400, $0x38;
	[tilespmem:$0x1D800] =	vst v63  }
0x28: {  	_ =	swait.ge [sflag:s9], $0x400  }
0x29: {  	[sflag:s9] =	ssyncset.done $0x0  }
0x2a: {  	[sflag:s9] =	ssyncadd.s32 $0xFFFFFC00  }
0x2b: {  	[tilespmem:s12], [sflag:$0x1] =	stream.indirect.gather [hbm4b:s2+s11], $0x10, s4, s11, $0xb8;
	[tilespmem:$0x1D800] =	vst v63  }
0x2c: {  	_ = 	snop  }
0x2d: {  	[tilespmem:s13], [sflag:$0x1] =	stream.indirect.gather [hbm4b:s2+s11], $0x10, s11, s11, $0xb8;
	[tilespmem:$0x1D800] =	vst v63  }
0x2e: {  	s7 =	rddreg [dreg:$0x5]  }
0x2f: {  	[tilespmem:s14], [sflag:$0x1] =	stream.indirect.gather [hbm4b:s2+s11], $0x10, s7, s11, $0xb8;
	[tilespmem:$0x1D800] =	vst v63  }
0x30: {  	s8 =	rddreg [dreg:$0x6]  }
0x31: {  	[tilespmem:s15], [sflag:$0x1] =	stream.indirect.gather [hbm4b:s2+s11], $0x10, s8, s11, $0xb8;
	[tilespmem:$0x1D800] =	vst v63  }
0x32: {  	_ = 	snop  }
0x33: {  	[tilespmem:s17], [sflag:$0x1] =	stream.indirect.gather [hbm4b:s2+s11], $0x10, s16, s11, $0xb8;
	[tilespmem:$0x1D800] =	vst v63  }
0x34: {  	_ = 	snop  }
0x35: {  	[tilespmem:s19], [sflag:$0x1] =	stream.indirect.gather [hbm4b:s2+s11], $0x10, s18, s11, $0xb8;
	[tilespmem:$0x1D800] =	vst v63  }
0x36: {  	_ = 	snop  }
0x37: {  	[tilespmem:s21], [sflag:$0x1] =	stream.indirect.gather [hbm4b:s2+s11], $0x10, s20, s11, $0xb8;
	[tilespmem:$0x1D800] =	vst v63  }
0x38: {  	_ = 	snop  }
0x39: {  	[tilespmem:s23], [sflag:$0x1] =	stream.indirect.gather [hbm4b:s2+s11], $0x10, s22, s11, $0xb8;
	[tilespmem:$0x1D800] =	vst v63  }
0x3a: {  	_ =	swait.ge [sflag:s24], $0x800  }
0x3b: {  	[sflag:s24] =	ssyncset.done $0x0  }
0x3c: {  	[sflag:s24] =	ssyncadd.s32 $0xFFFFF800  }
0x3d: {  	_ =	swait.ge [sflag:s24], $0x800  }
0x3e: {  	[sflag:s24] =	ssyncset.done $0x0  }
0x3f: {  	[sflag:s24] =	ssyncadd.s32 $0xFFFFF800  }
0x40: {  	_ =	swait.ge [sflag:s24], $0x800  }
0x41: {  	[sflag:s24] =	ssyncset.done $0x0  }
0x42: {  	[sflag:s24] =	ssyncadd.s32 $0xFFFFF800  }
0x43: {  	_ =	swait.ge [sflag:s24], $0x800  }
0x44: {  	[sflag:s24] =	ssyncset.done $0x0  }
0x45: {  	[sflag:s24] =	ssyncadd.s32 $0xFFFFF800  }
0x46: {  	_ =	swait.ge [sflag:s24], $0x800  }
0x47: {  	[sflag:s24] =	ssyncset.done $0x0  }
0x48: {  	[sflag:s24] =	ssyncadd.s32 $0xFFFFF800  }
0x49: {  	_ =	swait.ge [sflag:s24], $0x800  }
0x4a: {  	[sflag:s24] =	ssyncset.done $0x0  }
0x4b: {  	[sflag:s24] =	ssyncadd.s32 $0xFFFFF800  }
0x4c: {  	_ =	swait.ge [sflag:s24], $0x800  }
0x4d: {  	[sflag:s24] =	ssyncset.done $0x0  }
0x4e: {  	[sflag:s24] =	ssyncadd.s32 $0xFFFFF800  }
0x4f: {  	_ =	swait.ge [sflag:s24], $0x800  }
0x50: {  	[sflag:s24] =	ssyncset.done $0x0  }
0x51: {  	[sflag:s24] =	ssyncadd.s32 $0xFFFFF800  }
0x52: {  	[spmem:s3] =	stream.indirect.scatter.add.f32 [tilespmem:s12], [sflag:$0x2], $0x10, s10, s11, $0xb8;
	[tilespmem:$0x1D800] =	vst v63  }
0x53: {  	_ = 	snop  }
0x54: {  	[spmem:s3] =	stream.indirect.scatter.add.f32 [tilespmem:s13], [sflag:$0x2], $0x10, s25, s11, $0xb8;
	[tilespmem:$0x1D800] =	vst v63  }
0x55: {  	_ = 	snop  }
0x56: {  	[spmem:s3] =	stream.indirect.scatter.add.f32 [tilespmem:s14], [sflag:$0x2], $0x10, s26, s11, $0xb8;
	[tilespmem:$0x1D800] =	vst v63  }
0x57: {  	_ = 	snop  }
0x58: {  	[spmem:s3] =	stream.indirect.scatter.add.f32 [tilespmem:s15], [sflag:$0x2], $0x10, s28, s11, $0xb8;
	[tilespmem:$0x1D800] =	vst v63  }
0x59: {  	_ = 	snop  }
0x5a: {  	[spmem:s3] =	stream.indirect.scatter.add.f32 [tilespmem:s17], [sflag:$0x2], $0x10, s29, s11, $0xb8;
	[tilespmem:$0x1D800] =	vst v63  }
0x5b: {  	_ = 	snop  }
0x5c: {  	[spmem:s3] =	stream.indirect.scatter.add.f32 [tilespmem:s19], [sflag:$0x2], $0x10, s30, s11, $0xb8;
	[tilespmem:$0x1D800] =	vst v63  }
0x5d: {  	_ = 	snop  }
0x5e: {  	[spmem:s3] =	stream.indirect.scatter.add.f32 [tilespmem:s21], [sflag:$0x2], $0x10, s31, s11, $0xb8;
	[tilespmem:$0x1D800] =	vst v63  }
0x5f: {  	_ = 	snop  }
0x60: {  	[spmem:s3] =	stream.indirect.scatter.add.f32 [tilespmem:s23], [sflag:$0x2], $0x10, s1, s11, $0xb8;
	[tilespmem:$0x1D800] =	vst v63  }
0x61: {  	_ =	swait.ge [sflag:s0], $0x800  }
0x62: {  	[sflag:s0] =	ssyncset.done $0x0  }
0x63: {  	[sflag:s0] =	ssyncadd.s32 $0xFFFFF800  }
0x64: {  	_ =	swait.ge [sflag:s0], $0x800  }
0x65: {  	[sflag:s0] =	ssyncset.done $0x0  }
0x66: {  	[sflag:s0] =	ssyncadd.s32 $0xFFFFF800  }
0x67: {  	_ =	swait.ge [sflag:s0], $0x800  }
0x68: {  	[sflag:s0] =	ssyncset.done $0x0  }
0x69: {  	[sflag:s0] =	ssyncadd.s32 $0xFFFFF800  }
0x6a: {  	_ =	swait.ge [sflag:s0], $0x800  }
0x6b: {  	[sflag:s0] =	ssyncset.done $0x0  }
0x6c: {  	[sflag:s0] =	ssyncadd.s32 $0xFFFFF800  }
0x6d: {  	_ =	swait.ge [sflag:s0], $0x800  }
0x6e: {  	[sflag:s0] =	ssyncset.done $0x0  }
0x6f: {  	[sflag:s0] =	ssyncadd.s32 $0xFFFFF800  }
0x70: {  	_ =	swait.ge [sflag:s0], $0x800  }
0x71: {  	[sflag:s0] =	ssyncset.done $0x0  }
0x72: {  	[sflag:s0] =	ssyncadd.s32 $0xFFFFF800  }
0x73: {  	_ =	swait.ge [sflag:s0], $0x800  }
0x74: {  	[sflag:s0] =	ssyncset.done $0x0  }
0x75: {  	[sflag:s0] =	ssyncadd.s32 $0xFFFFF800  }
0x76: {  	s7 =	simm.s32 $0x80;
	_ =	swait.ge [sflag:s0], $0x800  }
0x77: {  	s8 =	simm.s32 $0x100;
	s5 =	rddreg [dreg:$0x4];
	[sflag:s0] =	ssyncset.done $0x0  }
.LBB2_4:
0x78: {  	[sflag:s0] =	ssyncadd.s32 $0xFFFFF800;
	s5 =	sadd.s32 s7, s5  }
0x79: {  	[tilespmem:s4], [sflag:$0x3] =	stream.linear.gather [hbm4b:s5+s4], $0x400, $0x38;
	[tilespmem:$0x1D800] =	vst v63  }
0x7a: {  	_ =	swait.ge [sflag:s9], $0x400  }
0x7b: {  	s5 =	rddreg [dreg:$0x3];
	[sflag:s9] =	ssyncset.done $0x0  }
0x7c: {  	[sflag:s9] =	ssyncadd.s32 $0xFFFFFC00;
	s5 =	sadd.s32 s7, s5  }
0x7d: {  	[tilespmem:s10], [sflag:$0x3] =	stream.linear.gather [hbm4b:s5+s4], $0x400, $0x38;
	[tilespmem:$0x1D800] =	vst v63  }
0x7e: {  	_ =	swait.ge [sflag:s9], $0x400  }
0x7f: {  	[sflag:s9] =	ssyncset.done $0x0  }
0x80: {  	[sflag:s9] =	ssyncadd.s32 $0xFFFFFC00  }
0x81: {  	[tilespmem:s12], [sflag:$0x1] =	stream.indirect.gather [hbm4b:s2+s11], $0x10, s4, s11, $0xb8;
	[tilespmem:$0x1D800] =	vst v63  }
0x82: {  	_ = 	snop  }
0x83: {  	[tilespmem:s13], [sflag:$0x1] =	stream.indirect.gather [hbm4b:s2+s11], $0x10, s11, s11, $0xb8;
	[tilespmem:$0x1D800] =	vst v63  }
0x84: {  	s6 =	smov.u32 s8;
	s5 =	rddreg [dreg:$0x5]  }
0x85: {  	[tilespmem:s14], [sflag:$0x1] =	stream.indirect.gather [hbm4b:s2+s11], $0x10, s5, s11, $0xb8;
	[tilespmem:$0x1D800] =	vst v63  }
0x86: {  	s7 =	smov.u32 s6;
	s6 =	rddreg [dreg:$0x6]  }
0x87: {  	[tilespmem:s15], [sflag:$0x1] =	stream.indirect.gather [hbm4b:s2+s11], $0x10, s6, s11, $0xb8;
	[tilespmem:$0x1D800] =	vst v63  }
0x88: {  	_ = 	snop  }
0x89: {  	[tilespmem:s17], [sflag:$0x1] =	stream.indirect.gather [hbm4b:s2+s11], $0x10, s16, s11, $0xb8;
	[tilespmem:$0x1D800] =	vst v63  }
0x8a: {  	_ = 	snop  }
0x8b: {  	[tilespmem:s19], [sflag:$0x1] =	stream.indirect.gather [hbm4b:s2+s11], $0x10, s18, s11, $0xb8;
	[tilespmem:$0x1D800] =	vst v63  }
0x8c: {  	_ = 	snop  }
0x8d: {  	[tilespmem:s21], [sflag:$0x1] =	stream.indirect.gather [hbm4b:s2+s11], $0x10, s20, s11, $0xb8;
	[tilespmem:$0x1D800] =	vst v63  }
0x8e: {  	_ = 	snop  }
0x8f: {  	[tilespmem:s23], [sflag:$0x1] =	stream.indirect.gather [hbm4b:s2+s11], $0x10, s22, s11, $0xb8;
	[tilespmem:$0x1D800] =	vst v63  }
0x90: {  	_ =	swait.ge [sflag:s24], $0x800  }
0x91: {  	[sflag:s24] =	ssyncset.done $0x0  }
0x92: {  	[sflag:s24] =	ssyncadd.s32 $0xFFFFF800  }
0x93: {  	_ =	swait.ge [sflag:s24], $0x800  }
0x94: {  	[sflag:s24] =	ssyncset.done $0x0  }
0x95: {  	[sflag:s24] =	ssyncadd.s32 $0xFFFFF800  }
0x96: {  	_ =	swait.ge [sflag:s24], $0x800  }
0x97: {  	[sflag:s24] =	ssyncset.done $0x0  }
0x98: {  	[sflag:s24] =	ssyncadd.s32 $0xFFFFF800  }
0x99: {  	_ =	swait.ge [sflag:s24], $0x800  }
0x9a: {  	[sflag:s24] =	ssyncset.done $0x0  }
0x9b: {  	[sflag:s24] =	ssyncadd.s32 $0xFFFFF800  }
0x9c: {  	_ =	swait.ge [sflag:s24], $0x800  }
0x9d: {  	[sflag:s24] =	ssyncset.done $0x0  }
0x9e: {  	[sflag:s24] =	ssyncadd.s32 $0xFFFFF800  }
0x9f: {  	_ =	swait.ge [sflag:s24], $0x800  }
0xa0: {  	[sflag:s24] =	ssyncset.done $0x0  }
0xa1: {  	[sflag:s24] =	ssyncadd.s32 $0xFFFFF800  }
0xa2: {  	_ =	swait.ge [sflag:s24], $0x800  }
0xa3: {  	[sflag:s24] =	ssyncset.done $0x0  }
0xa4: {  	[sflag:s24] =	ssyncadd.s32 $0xFFFFF800  }
0xa5: {  	_ =	swait.ge [sflag:s24], $0x800  }
0xa6: {  	[sflag:s24] =	ssyncset.done $0x0  }
0xa7: {  	[sflag:s24] =	ssyncadd.s32 $0xFFFFF800  }
0xa8: {  	[spmem:s3] =	stream.indirect.scatter.add.f32 [tilespmem:s12], [sflag:$0x2], $0x10, s10, s11, $0xb8;
	[tilespmem:$0x1D800] =	vst v63  }
0xa9: {  	_ = 	snop  }
0xaa: {  	[spmem:s3] =	stream.indirect.scatter.add.f32 [tilespmem:s13], [sflag:$0x2], $0x10, s25, s11, $0xb8;
	[tilespmem:$0x1D800] =	vst v63  }
0xab: {  	_ = 	snop  }
0xac: {  	[spmem:s3] =	stream.indirect.scatter.add.f32 [tilespmem:s14], [sflag:$0x2], $0x10, s26, s11, $0xb8;
	[tilespmem:$0x1D800] =	vst v63  }
0xad: {  	_ = 	snop  }
0xae: {  	[spmem:s3] =	stream.indirect.scatter.add.f32 [tilespmem:s15], [sflag:$0x2], $0x10, s28, s11, $0xb8;
	[tilespmem:$0x1D800] =	vst v63  }
0xaf: {  	_ = 	snop  }
0xb0: {  	[spmem:s3] =	stream.indirect.scatter.add.f32 [tilespmem:s17], [sflag:$0x2], $0x10, s29, s11, $0xb8;
	[tilespmem:$0x1D800] =	vst v63  }
0xb1: {  	_ = 	snop  }
0xb2: {  	[spmem:s3] =	stream.indirect.scatter.add.f32 [tilespmem:s19], [sflag:$0x2], $0x10, s30, s11, $0xb8;
	[tilespmem:$0x1D800] =	vst v63  }
0xb3: {  	_ = 	snop  }
0xb4: {  	[spmem:s3] =	stream.indirect.scatter.add.f32 [tilespmem:s21], [sflag:$0x2], $0x10, s31, s11, $0xb8;
	[tilespmem:$0x1D800] =	vst v63  }
0xb5: {  	_ = 	snop  }
0xb6: {  	[spmem:s3] =	stream.indirect.scatter.add.f32 [tilespmem:s23], [sflag:$0x2], $0x10, s1, s11, $0xb8;
	[tilespmem:$0x1D800] =	vst v63  }
0xb7: {  	_ =	swait.ge [sflag:s0], $0x800  }
0xb8: {  	[sflag:s0] =	ssyncset.done $0x0  }
0xb9: {  	[sflag:s0] =	ssyncadd.s32 $0xFFFFF800  }
0xba: {  	_ =	swait.ge [sflag:s0], $0x800  }
0xbb: {  	[sflag:s0] =	ssyncset.done $0x0  }
0xbc: {  	[sflag:s0] =	ssyncadd.s32 $0xFFFFF800  }
0xbd: {  	_ =	swait.ge [sflag:s0], $0x800  }
0xbe: {  	[sflag:s0] =	ssyncset.done $0x0  }
0xbf: {  	[sflag:s0] =	ssyncadd.s32 $0xFFFFF800  }
0xc0: {  	_ =	swait.ge [sflag:s0], $0x800  }
0xc1: {  	[sflag:s0] =	ssyncset.done $0x0  }
0xc2: {  	[sflag:s0] =	ssyncadd.s32 $0xFFFFF800  }
0xc3: {  	_ =	swait.ge [sflag:s0], $0x800  }
0xc4: {  	[sflag:s0] =	ssyncset.done $0x0  }
0xc5: {  	[sflag:s0] =	ssyncadd.s32 $0xFFFFF800  }
0xc6: {  	_ =	swait.ge [sflag:s0], $0x800  }
0xc7: {  	[sflag:s0] =	ssyncset.done $0x0  }
0xc8: {  	p0 =	sne.s32 s8, $0x1800;
	[sflag:s0] =	ssyncadd.s32 $0xFFFFF800  }
.Ltmp1:
0xc9: {  	_ =	swait.ge [sflag:s0], $0x800;
	(pc) =	sbr.rel @p0 .LBB2_4-.Ltmp1, $4  }
0xca: {  	[sflag:s0] =	ssyncset.done $0x0  }
0xcb: {  	[sflag:s0] =	ssyncadd.s32 $0xFFFFF800  }
0xcc: {  	_ =	swait.ge [sflag:s0], $0x800  }
0xcd: {  	s8 =	sadd.s32 $0x80, s8;
	s5 =	rddreg [dreg:$0x4];
	[sflag:s0] =	ssyncset.done $0x0  }
0xce: {  	[sflag:s0] =	ssyncadd.s32 $0xFFFFF800;
	s5 =	sadd.s32 s7, s5  }
0xcf: {  	[tilespmem:s4], [sflag:$0x3] =	stream.linear.gather [hbm4b:s5+s4], $0x400, $0x38;
	[tilespmem:$0x1D800] =	vst v63  }
0xd0: {  	_ =	swait.ge [sflag:s9], $0x400  }
0xd1: {  	s6 =	rddreg [dreg:$0x3];
	[sflag:s9] =	ssyncset.done $0x0  }
0xd2: {  	[sflag:s9] =	ssyncadd.s32 $0xFFFFFC00;
	s5 =	sadd.s32 s7, s6  }
0xd3: {  	[tilespmem:s10], [sflag:$0x3] =	stream.linear.gather [hbm4b:s5+s4], $0x400, $0x38;
	[tilespmem:$0x1D800] =	vst v63  }
0xd4: {  	_ =	swait.ge [sflag:s9], $0x400  }
0xd5: {  	[sflag:s9] =	ssyncset.done $0x0  }
0xd6: {  	[sflag:s9] =	ssyncadd.s32 $0xFFFFFC00  }
0xd7: {  	[tilespmem:s12], [sflag:$0x1] =	stream.indirect.gather [hbm4b:s2+s11], $0x10, s4, s11, $0xb8;
	[tilespmem:$0x1D800] =	vst v63  }
0xd8: {  	_ = 	snop  }
0xd9: {  	[tilespmem:s13], [sflag:$0x1] =	stream.indirect.gather [hbm4b:s2+s11], $0x10, s11, s11, $0xb8;
	[tilespmem:$0x1D800] =	vst v63  }
0xda: {  	s8 =	rddreg [dreg:$0x5]  }
0xdb: {  	[tilespmem:s14], [sflag:$0x1] =	stream.indirect.gather [hbm4b:s2+s11], $0x10, s8, s11, $0xb8;
	[tilespmem:$0x1D800] =	vst v63  }
0xdc: {  	s6 =	rddreg [dreg:$0x6]  }
0xdd: {  	[tilespmem:s15], [sflag:$0x1] =	stream.indirect.gather [hbm4b:s2+s11], $0x10, s6, s11, $0xb8;
	[tilespmem:$0x1D800] =	vst v63  }
0xde: {  	_ = 	snop  }
0xdf: {  	[tilespmem:s17], [sflag:$0x1] =	stream.indirect.gather [hbm4b:s2+s11], $0x10, s16, s11, $0xb8;
	[tilespmem:$0x1D800] =	vst v63  }
0xe0: {  	_ = 	snop  }
0xe1: {  	[tilespmem:s19], [sflag:$0x1] =	stream.indirect.gather [hbm4b:s2+s11], $0x10, s18, s11, $0xb8;
	[tilespmem:$0x1D800] =	vst v63  }
0xe2: {  	_ = 	snop  }
0xe3: {  	[tilespmem:s21], [sflag:$0x1] =	stream.indirect.gather [hbm4b:s2+s11], $0x10, s20, s11, $0xb8;
	[tilespmem:$0x1D800] =	vst v63  }
0xe4: {  	_ = 	snop  }
0xe5: {  	[tilespmem:s23], [sflag:$0x1] =	stream.indirect.gather [hbm4b:s2+s11], $0x10, s22, s11, $0xb8;
	[tilespmem:$0x1D800] =	vst v63  }
0xe6: {  	_ =	swait.ge [sflag:s24], $0x800  }
0xe7: {  	[sflag:s24] =	ssyncset.done $0x0  }
0xe8: {  	[sflag:s24] =	ssyncadd.s32 $0xFFFFF800  }
0xe9: {  	_ =	swait.ge [sflag:s24], $0x800  }
0xea: {  	[sflag:s24] =	ssyncset.done $0x0  }
0xeb: {  	[sflag:s24] =	ssyncadd.s32 $0xFFFFF800  }
0xec: {  	_ =	swait.ge [sflag:s24], $0x800  }
0xed: {  	[sflag:s24] =	ssyncset.done $0x0  }
0xee: {  	[sflag:s24] =	ssyncadd.s32 $0xFFFFF800  }
0xef: {  	_ =	swait.ge [sflag:s24], $0x800  }
0xf0: {  	[sflag:s24] =	ssyncset.done $0x0  }
0xf1: {  	[sflag:s24] =	ssyncadd.s32 $0xFFFFF800  }
0xf2: {  	_ =	swait.ge [sflag:s24], $0x800  }
0xf3: {  	[sflag:s24] =	ssyncset.done $0x0  }
0xf4: {  	[sflag:s24] =	ssyncadd.s32 $0xFFFFF800  }
0xf5: {  	_ =	swait.ge [sflag:s24], $0x800  }
0xf6: {  	[sflag:s24] =	ssyncset.done $0x0  }
0xf7: {  	[sflag:s24] =	ssyncadd.s32 $0xFFFFF800  }
0xf8: {  	_ =	swait.ge [sflag:s24], $0x800  }
0xf9: {  	[sflag:s24] =	ssyncset.done $0x0  }
0xfa: {  	[sflag:s24] =	ssyncadd.s32 $0xFFFFF800  }
0xfb: {  	_ =	swait.ge [sflag:s24], $0x800  }
0xfc: {  	[sflag:s24] =	ssyncset.done $0x0  }
0xfd: {  	[sflag:s24] =	ssyncadd.s32 $0xFFFFF800  }
0xfe: {  	[spmem:s3] =	stream.indirect.scatter.add.f32 [tilespmem:s12], [sflag:$0x2], $0x10, s10, s11, $0xb8;
	[tilespmem:$0x1D800] =	vst v63  }
0xff: {  	_ = 	snop  }
0x100: {  	[spmem:s3] =	stream.indirect.scatter.add.f32 [tilespmem:s13], [sflag:$0x2], $0x10, s25, s11, $0xb8;
	[tilespmem:$0x1D800] =	vst v63  }
0x101: {  	_ = 	snop  }
0x102: {  	[spmem:s3] =	stream.indirect.scatter.add.f32 [tilespmem:s14], [sflag:$0x2], $0x10, s26, s11, $0xb8;
	[tilespmem:$0x1D800] =	vst v63  }
0x103: {  	_ = 	snop  }
0x104: {  	[spmem:s3] =	stream.indirect.scatter.add.f32 [tilespmem:s15], [sflag:$0x2], $0x10, s28, s11, $0xb8;
	[tilespmem:$0x1D800] =	vst v63  }
0x105: {  	_ = 	snop  }
0x106: {  	[spmem:s3] =	stream.indirect.scatter.add.f32 [tilespmem:s17], [sflag:$0x2], $0x10, s29, s11, $0xb8;
	[tilespmem:$0x1D800] =	vst v63  }
0x107: {  	_ = 	snop  }
0x108: {  	[spmem:s3] =	stream.indirect.scatter.add.f32 [tilespmem:s19], [sflag:$0x2], $0x10, s30, s11, $0xb8;
	[tilespmem:$0x1D800] =	vst v63  }
0x109: {  	_ = 	snop  }
0x10a: {  	[spmem:s3] =	stream.indirect.scatter.add.f32 [tilespmem:s21], [sflag:$0x2], $0x10, s31, s11, $0xb8;
	[tilespmem:$0x1D800] =	vst v63  }
0x10b: {  	_ = 	snop  }
0x10c: {  	[spmem:s3] =	stream.indirect.scatter.add.f32 [tilespmem:s23], [sflag:$0x2], $0x10, s1, s11, $0xb8;
	[tilespmem:$0x1D800] =	vst v63  }
0x10d: {  	_ =	swait.ge [sflag:s0], $0x800  }
0x10e: {  	[sflag:s0] =	ssyncset.done $0x0  }
0x10f: {  	[sflag:s0] =	ssyncadd.s32 $0xFFFFF800  }
0x110: {  	_ =	swait.ge [sflag:s0], $0x800  }
0x111: {  	[sflag:s0] =	ssyncset.done $0x0  }
0x112: {  	[sflag:s0] =	ssyncadd.s32 $0xFFFFF800  }
0x113: {  	_ =	swait.ge [sflag:s0], $0x800  }
0x114: {  	[sflag:s0] =	ssyncset.done $0x0  }
0x115: {  	[sflag:s0] =	ssyncadd.s32 $0xFFFFF800  }
0x116: {  	_ =	swait.ge [sflag:s0], $0x800  }
0x117: {  	[sflag:s0] =	ssyncset.done $0x0  }
0x118: {  	[sflag:s0] =	ssyncadd.s32 $0xFFFFF800  }
0x119: {  	_ =	swait.ge [sflag:s0], $0x800  }
0x11a: {  	[sflag:s0] =	ssyncset.done $0x0  }
0x11b: {  	[sflag:s0] =	ssyncadd.s32 $0xFFFFF800  }
0x11c: {  	_ =	swait.ge [sflag:s0], $0x800  }
0x11d: {  	[sflag:s0] =	ssyncset.done $0x0  }
0x11e: {  	[sflag:s0] =	ssyncadd.s32 $0xFFFFF800  }
0x11f: {  	_ =	swait.ge [sflag:s0], $0x800  }
0x120: {  	[sflag:s0] =	ssyncset.done $0x0  }
0x121: {  	[sflag:s0] =	ssyncadd.s32 $0xFFFFF800  }
0x122: {  	_ =	swait.ge [sflag:s0], $0x800  }
0x123: {  	[sflag:s0] =	ssyncset.done $0x0  }
0x124: {  	[sflag:s0] =	ssyncadd.s32 $0xFFFFF800  }
0x125: {  	[bflag:$0x0] =	sbarrier.arrive $0xFFFF  }
0x126: {  	s8 =	simm.s32 $0x4800;
	s6 =	rddreg [dreg:$0x7]  }
0x127: {  	[tilespmem:s8], [sflag:$0x3] =	stream.linear.gather [spmem:s6], $0xC800, $0x38;
	[tilespmem:$0x1D800] =	vst v63  }
0x128: {  	_ =	swait.ge [sflag:s9], $0xC800  }
0x129: {  	[sflag:s9] =	ssyncset.done $0x0  }
0x12a: {  	s7 =	rddreg [dreg:$0x8];
	[sflag:s9] =	ssyncadd.s32 $0xFFFF3800  }
0x12b: {  	[hbm4b:s7+s4] =	stream.linear.scatter [tilespmem:s8], [sflag:$0x3], $0xC800, $0x38;
	[tilespmem:$0x1D800] =	vst v63  }
0x12c: {  	_ =	swait.ge [sflag:s9], $0xC800  }
0x12d: {  	s5 =	rddreg [dreg:$0xa]  }
0x12e: {  	s7 =	sadd.s32 $0x1, s5;
	s5 =	rddreg [dreg:$0x9]  }
0x12f: {  	p0 =	sne.s32 s7, s5  }
.Ltmp2:
0x130: {  	_ = 	snop;
	(pc) =	sbr.rel @p0 .LBB2_1-.Ltmp2, $3  }
0x131: {  	_ =	sdelay $0x1  }
0x132: {  	[sflag:s9] =	ssyncset.done $0x0  }
0x133: {  	[sflag:s9] =	ssyncadd.s32 $0xFFFF3800  }
0x134: {  	_ =	sfence.sel $0x180000  }
0x135: {  	[bflag:$0x0] =	sbarrier.arrive $0xFFFF  }
0x136: {  	_ =	strace $0x90000047  }
0x137: {  	s0 =	stileid.u32;
	[bflag:$0x2] =	sbarrier.arrive $0xFFFF  }
0x138: {  	p0 =	sne.s32 s0, $0x0;
	s0 =	rddreg [dreg:$0x2]  }
0x139: {  	s0 =	sadd.s32 @!p0 $0x100000, s0  }
0x13a: {  	[sflag:s0] =	ssyncadd.tile.s32 @!p0 $0x1;
	_ =	shalt  }
.Lfunc_end2:
_tile_overlayer_lowered:
.L_overlay_start_2:
0x13b: {  	(tag) =	ssettag $0x2  }
0x13c: {  	s0 =	rddreg [dreg:$0x0];
	s2 =	stileid.u32  }
0x13d: {  	s1 =	rddreg [dreg:$0x1];
	p0 =	sne.s32 s2, $0x0  }
0x13e: {  	s3 =	rddreg [dreg:$0x2];
	[bflag:$0x3] =	sbarrier.arrive $0xFFFF;
	s2 =	simm.s32 @!p0 $0x1C03  }
0x13f: {  	[timem:s3], [sflag:s2] =	dma.local @!p0 [hbm:s0], s1  }
0x140: {  	s0 =	simm.s32 @!p0 $0x3  }
0x141: {  	_ =	swait.ge @!p0 [sflag:s0], s1  }
0x142: {  	s1 =	ssub.s32 @!p0 $0x0, s1;
	[sflag:s0] =	ssyncset.done @!p0 $0x0  }
0x143: {  	[sflag:s0] =	ssyncadd.s32 @!p0 s1  }
0x144: {  	[bflag:$0x3] =	sbarrier.arrive $0xFFFF  }
0x145: {  	_ =	shalt  }

</sc_bundles>
